<compile_context>
chip_gen: v7x
topology: tpu7x:2x2x1
jax: 0.10.2.dev20260603
libtpu: 0.0.44.dev20260713+nightly
codegen_flags: <defaults>
</compile_context>

<pallas_src>
import jax
import jax.numpy as jnp
from jax import lax
from jax.experimental import pallas as pl
from jax.experimental.pallas import tpu as pltpu
from jax.experimental.pallas import tpu_sc as plsc

N_NODES = 10000
N_EDGES = 320000
D = 128
OUT = 128
BOUND = 10.0

_NC = 2
_NS = 16
_NW = _NC * _NS
_E_TILE = N_EDGES // _NW
_CHUNK = 80
_NCHUNK = _E_TILE // _CHUNK
_NB = 3
_ROWS_TILE = N_NODES // _NS


def _sc_agg_body(x_hbm, ei_hbm, out_hbm,
                 src_v, dst_v, rows, agg_sh, gsem, ssem):
    c = lax.axis_index("c")
    s = lax.axis_index("s")
    tile = c * _NS + s

    pltpu.sync_copy(ei_hbm.at[0, tile], src_v)
    pltpu.sync_copy(ei_hbm.at[1, tile], dst_v)
    pltpu.async_copy(x_hbm.at[src_v.at[0]], rows.at[0], gsem[0])

    zvec = jnp.zeros((16,), jnp.float32)

    def _zero_elem(k, _):
        i = k // (D // 16)
        j = k % (D // 16)
        rows[1, i, pl.ds(j * 16, 16)] = zvec
        return 0

    lax.fori_loop(0, _CHUNK * (D // 16), _zero_elem, 0)
    r0 = s * _ROWS_TILE
    for k in range(_ROWS_TILE // _CHUNK):
        pltpu.sync_copy(rows.at[1], agg_sh.at[pl.ds(r0 + k * _CHUNK, _CHUNK)])
    _rem = _ROWS_TILE % _CHUNK
    pltpu.sync_copy(rows.at[1, pl.ds(0, _rem)],
                    agg_sh.at[pl.ds(r0 + _ROWS_TILE - _rem, _rem)])
    plsc.subcore_barrier()

    pltpu.async_copy(x_hbm.at[src_v.at[1]], rows.at[1], gsem[1])
    pltpu.async_copy(x_hbm.at[src_v.at[2]], rows.at[2], gsem[2])

    def _edge_trip(k, _):
        i = 3 * k
        for b in range(_NB):
            pltpu.make_async_copy(x_hbm.at[src_v.at[i + b]],
                                  rows.at[b], gsem[b]).wait()
            pltpu.sync_copy(rows.at[b], agg_sh.at[dst_v.at[i + b]], add=True)
            pltpu.async_copy(x_hbm.at[src_v.at[i + b + 3]],
                             rows.at[b], gsem[b])
        return 0

    lax.fori_loop(0, _NCHUNK // 3 - 1, _edge_trip, 0)
    i = _NCHUNK - 5
    for b in range(_NB):
        pltpu.make_async_copy(x_hbm.at[src_v.at[i + b]],
                              rows.at[b], gsem[b]).wait()
        pltpu.sync_copy(rows.at[b], agg_sh.at[dst_v.at[i + b]], add=True)
    for b in range(2):
        pltpu.async_copy(x_hbm.at[src_v.at[i + 3 + b]], rows.at[b], gsem[b])
    for b in range(2):
        pltpu.make_async_copy(x_hbm.at[src_v.at[i + 3 + b]],
                              rows.at[b], gsem[b]).wait()
        pltpu.sync_copy(rows.at[b], agg_sh.at[dst_v.at[i + 3 + b]], add=True)
    plsc.subcore_barrier()

    pltpu.sync_copy(agg_sh.at[pl.ds(r0, _ROWS_TILE)],
                    out_hbm.at[c, pl.ds(r0, _ROWS_TILE)])


import functools


@functools.cache
def _get_sc_agg():
    return pl.kernel(
        _sc_agg_body,
        out_type=jax.ShapeDtypeStruct((_NC, N_NODES, D), jnp.float32),
        mesh=plsc.VectorSubcoreMesh(core_axis_name="c", subcore_axis_name="s",
                                    num_cores=_NC, num_subcores=_NS),
        compiler_params=pltpu.CompilerParams(use_tc_tiling_on_sc=False),
        scratch_types=[
            pltpu.VMEM((_NCHUNK, _CHUNK), jnp.int32),
            pltpu.VMEM((_NCHUNK, _CHUNK), jnp.int32),
            pltpu.VMEM((_NB, _CHUNK, D), jnp.float32),
            pltpu.VMEM_SHARED((N_NODES, D), jnp.float32),
            [pltpu.SemaphoreType.DMA] * _NB,
            [pltpu.SemaphoreType.DMA] * _NB,
        ],
    )


_BLK = 2000
_NBLK = N_NODES // _BLK


def _tc_body(x_ref, p_ref, w_ref, b_ref, out_ref, loss_ref):
    a = jnp.clip(p_ref[0] + p_ref[1], 0.0, BOUND)
    x1 = (jnp.dot(x_ref[...], w_ref[0:D], preferred_element_type=jnp.float32)
          + jnp.dot(a, w_ref[D:2 * D], preferred_element_type=jnp.float32)
          + b_ref[...])
    m = jnp.max(x1, axis=-1, keepdims=True)
    col = lax.broadcasted_iota(jnp.int32, x1.shape, 1)
    idx = jnp.min(jnp.where(x1 == m, col, OUT), axis=-1, keepdims=True)
    x2 = (col == idx).astype(jnp.float32)
    out_ref[...] = x2

    @pl.when(pl.program_id(0) == 0)
    def _init():
        loss_ref[0, 0] = 0.0

    loss_ref[0, 0] += jnp.sum((x2 - x1) ** 2)


_tc = pl.pallas_call(
    _tc_body,
    grid=(_NBLK,),
    in_specs=[
        pl.BlockSpec((_BLK, D), lambda i: (i, 0)),
        pl.BlockSpec((_NC, _BLK, D), lambda i: (0, i, 0)),
        pl.BlockSpec((2 * D, OUT), lambda i: (0, 0)),
        pl.BlockSpec((1, OUT), lambda i: (0, 0)),
    ],
    out_specs=[
        pl.BlockSpec((_BLK, OUT), lambda i: (i, 0)),
        pl.BlockSpec((1, 1), lambda i: (0, 0), memory_space=pltpu.SMEM),
    ],
    out_shape=[
        jax.ShapeDtypeStruct((N_NODES, OUT), jnp.float32),
        jax.ShapeDtypeStruct((1, 1), jnp.float32),
    ],
)


def kernel(x, edge_index, W, b):
    ei = edge_index.reshape(2, _NW, _NCHUNK, _CHUNK)
    partials = _get_sc_agg()(x, ei)
    x2, loss = _tc(x, partials, W, b.reshape(1, OUT))
    return x2, loss[0, 0] / (N_NODES * OUT)

# --- scband reference (transcript-rebuilt; emitter-appended) ---
"""Pipeline reference for scband-bronze-age-gnn-47115791237365 (READ-ONLY COPY).

The authoritative reference and input builder live on the scoring server;
editing this copy changes nothing except your own understanding.
"""

import jax, jax.numpy as jnp
import numpy as np

N_NODES = 10000
N_EDGES = 320000
D_FEAT = 128
OUT_CH = 128
BOUNDING_PARAMETER = 10.0


def setup_inputs(seed: int = 0) -> dict:
    key = jax.random.key(seed)
    k1, k2, k3, k4 = jax.random.split(key, 4)
    x = jax.random.normal(k1, (N_NODES, D_FEAT), dtype=jnp.float32)
    edge_index = jax.random.randint(k2, (2, N_EDGES), 0, N_NODES, dtype=jnp.int32)
    # Learned params of BronzeAgeLayer (LINEAR layer_type, STONE_AGE aggregation):
    # Linear(2*in_channels -> out_channels)
    scale = 1.0 / np.sqrt(2 * D_FEAT)
    W = jax.random.uniform(k3, (2 * D_FEAT, OUT_CH), dtype=jnp.float32, minval=-scale, maxval=scale)
    b = jax.random.uniform(k4, (OUT_CH,), dtype=jnp.float32, minval=-scale, maxval=scale)
    return {"x": x, "edge_index": edge_index, "W": W, "b": b}


def reference(x, edge_index, W, b):
    # BronzeAgeGNNLayer.forward (STONE_AGE aggregation, aggr='add'):
    # message(x_j) = x_j gathered along source nodes, scatter-add to dst nodes,
    # clamp sums to [0, bounding_parameter], concat with x, linear, then
    # DifferentiableArgmax nonlinearity + entropy (mse) loss.
    src = edge_index[0]
    dst = edge_index[1]
    msgs = jnp.take(x, src, axis=0)                       # gather  [E, D]
    agg = jax.ops.segment_sum(msgs, dst, num_segments=N_NODES)  # scatter-add [N, D]
    clamped = jnp.clip(agg, 0.0, BOUNDING_PARAMETER)
    h = jnp.concatenate([x, clamped], axis=-1)            # [N, 2D]
    x1 = h @ W + b                                        # [N, OUT]
    # differentiable_argmax (training path):
    y_soft = jax.nn.softmax(x1, axis=-1)
    idx = jnp.argmax(y_soft, axis=-1)
    y_hard = jax.nn.one_hot(idx, OUT_CH, dtype=x1.dtype)
    x2 = y_soft + jax.lax.stop_gradient(y_hard - y_soft)
    entropy_loss = jnp.mean((x2 - x1) ** 2)
    return x2, entropy_loss

if __name__ == "__main__":
    import jax
    _d = setup_inputs()
    print(jax.jit(kernel)(*tuple(_d.values())))

</pallas_src>

<mosaic_0001>
#map = affine_map<(d0, d1) -> (0, 0)>
#map1 = affine_map<(d0, d1) -> (0, 0, 0, 0)>
#map2 = affine_map<(d0, d1) -> (0, 0, 0)>
module attributes {stable_mosaic.version = 14 : i64} {
  func.func @_sc_agg_body(%arg0: i32, %arg1: i32, %arg2: memref<10000x128xf32, #tpu.memory_space<hbm>>, %arg3: memref<2x32x125x80xi32, #tpu.memory_space<hbm>>, %arg4: memref<2x10000x128xf32, #tpu.memory_space<hbm>>, %arg5: memref<125x80xi32, #tpu.memory_space<vmem>>, %arg6: memref<125x80xi32, #tpu.memory_space<vmem>>, %arg7: memref<3x80x128xf32, #tpu.memory_space<vmem>>, %arg8: memref<10000x128xf32, #tpu.memory_space<vmem_shared>>, %arg9: memref<!tpu.dma_semaphore, #tpu.memory_space<semaphore_mem>>, %arg10: memref<!tpu.dma_semaphore, #tpu.memory_space<semaphore_mem>>, %arg11: memref<!tpu.dma_semaphore, #tpu.memory_space<semaphore_mem>>, %arg12: memref<!tpu.dma_semaphore, #tpu.memory_space<semaphore_mem>>, %arg13: memref<!tpu.dma_semaphore, #tpu.memory_space<semaphore_mem>>, %arg14: memref<!tpu.dma_semaphore, #tpu.memory_space<semaphore_mem>>) attributes {dimension_semantics = [#tpu.dimension_semantics<core_parallel>, #tpu.dimension_semantics<subcore_parallel>], iteration_bounds = array<i64: 2, 16>, scalar_prefetch = 0 : i64, scratch_operands = 10 : i64, tpu.core_type = #tpu.core_type<sc_vector_subcore>, window_params = [{transform_indices = #map}, {transform_indices = #map1}, {transform_indices = #map2}]} {
    %mul3A = arith.constant 16 : i32
    %mul3A_0 = arith.muli %arg0, %mul3A : i32
    %add3A = arith.addi %mul3A_0, %arg1 : i32
    %run_scoped3A = arith.constant 0 : i32
    "tpu.region"() ({
      %run_scoped3A_172 = tpu.sem_alloc : memref<!tpu.dma_semaphore, #tpu.memory_space<semaphore_mem>>
      %dma_start3A_173 = arith.constant 0 : i32
      %dma_start3A_174 = arith.constant 0 : i32
      %dma_start3A_175 = tpu.memref_slice %arg3[%run_scoped3A, %add3A, %dma_start3A_173, %dma_start3A_174] : memref<2x32x125x80xi32, #tpu.memory_space<hbm>> -> memref<1x1x125x80xi32, #tpu.memory_space<hbm>>
      %dma_start3A_176 = tpu.memref_squeeze %dma_start3A_175 : memref<1x1x125x80xi32, #tpu.memory_space<hbm>> -> memref<125x80xi32, #tpu.memory_space<hbm>>
      %dma_start3A_177 = arith.constant 0 : i32
      %dma_start3A_178 = arith.constant 0 : i32
      %dma_start3A_179 = tpu.memref_slice %arg3[%run_scoped3A, %add3A, %dma_start3A_177, %dma_start3A_178] : memref<2x32x125x80xi32, #tpu.memory_space<hbm>> -> memref<1x1x125x80xi32, #tpu.memory_space<hbm>>
      %dma_start3A_180 = tpu.memref_squeeze %dma_start3A_179 : memref<1x1x125x80xi32, #tpu.memory_space<hbm>> -> memref<125x80xi32, #tpu.memory_space<hbm>>
      tpu.enqueue_dma source(%dma_start3A_180 : memref<125x80xi32, #tpu.memory_space<hbm>>) target(%arg5 : memref<125x80xi32, #tpu.memory_space<vmem>>) target_semaphore(%run_scoped3A_172 : memref<!tpu.dma_semaphore, #tpu.memory_space<semaphore_mem>>)
      %dma_wait3A_181 = arith.constant 0 : i32
      %dma_wait3A_182 = arith.constant 0 : i32
      %dma_wait3A_183 = tpu.memref_slice %arg3[%run_scoped3A, %add3A, %dma_wait3A_181, %dma_wait3A_182] : memref<2x32x125x80xi32, #tpu.memory_space<hbm>> -> memref<1x1x125x80xi32, #tpu.memory_space<hbm>>
      %dma_wait3A_184 = tpu.memref_squeeze %dma_wait3A_183 : memref<1x1x125x80xi32, #tpu.memory_space<hbm>> -> memref<125x80xi32, #tpu.memory_space<hbm>>
      %dma_wait3A_185 = arith.constant 0 : i32
      %dma_wait3A_186 = arith.constant 0 : i32
      %dma_wait3A_187 = tpu.memref_slice %arg3[%run_scoped3A, %add3A, %dma_wait3A_185, %dma_wait3A_186] : memref<2x32x125x80xi32, #tpu.memory_space<hbm>> -> memref<1x1x125x80xi32, #tpu.memory_space<hbm>>
      %dma_wait3A_188 = tpu.memref_squeeze %dma_wait3A_187 : memref<1x1x125x80xi32, #tpu.memory_space<hbm>> -> memref<125x80xi32, #tpu.memory_space<hbm>>
      tpu.wait_dma2 semaphore(%run_scoped3A_172 : memref<!tpu.dma_semaphore, #tpu.memory_space<semaphore_mem>>) src(%dma_wait3A_188 : memref<125x80xi32, #tpu.memory_space<hbm>>) dst(%arg5 : memref<125x80xi32, #tpu.memory_space<vmem>>)
      tpu.yield
    }) : () -> ()
    %run_scoped3A_1 = arith.constant 1 : i32
    "tpu.region"() ({
      %run_scoped3A_172 = tpu.sem_alloc : memref<!tpu.dma_semaphore, #tpu.memory_space<semaphore_mem>>
      %dma_start3A_173 = arith.constant 0 : i32
      %dma_start3A_174 = arith.constant 0 : i32
      %dma_start3A_175 = tpu.memref_slice %arg3[%run_scoped3A_1, %add3A, %dma_start3A_173, %dma_start3A_174] : memref<2x32x125x80xi32, #tpu.memory_space<hbm>> -> memref<1x1x125x80xi32, #tpu.memory_space<hbm>>
      %dma_start3A_176 = tpu.memref_squeeze %dma_start3A_175 : memref<1x1x125x80xi32, #tpu.memory_space<hbm>> -> memref<125x80xi32, #tpu.memory_space<hbm>>
      %dma_start3A_177 = arith.constant 0 : i32
      %dma_start3A_178 = arith.constant 0 : i32
      %dma_start3A_179 = tpu.memref_slice %arg3[%run_scoped3A_1, %add3A, %dma_start3A_177, %dma_start3A_178] : memref<2x32x125x80xi32, #tpu.memory_space<hbm>> -> memref<1x1x125x80xi32, #tpu.memory_space<hbm>>
      %dma_start3A_180 = tpu.memref_squeeze %dma_start3A_179 : memref<1x1x125x80xi32, #tpu.memory_space<hbm>> -> memref<125x80xi32, #tpu.memory_space<hbm>>
      tpu.enqueue_dma source(%dma_start3A_180 : memref<125x80xi32, #tpu.memory_space<hbm>>) target(%arg6 : memref<125x80xi32, #tpu.memory_space<vmem>>) target_semaphore(%run_scoped3A_172 : memref<!tpu.dma_semaphore, #tpu.memory_space<semaphore_mem>>)
      %dma_wait3A_181 = arith.constant 0 : i32
      %dma_wait3A_182 = arith.constant 0 : i32
      %dma_wait3A_183 = tpu.memref_slice %arg3[%run_scoped3A_1, %add3A, %dma_wait3A_181, %dma_wait3A_182] : memref<2x32x125x80xi32, #tpu.memory_space<hbm>> -> memref<1x1x125x80xi32, #tpu.memory_space<hbm>>
      %dma_wait3A_184 = tpu.memref_squeeze %dma_wait3A_183 : memref<1x1x125x80xi32, #tpu.memory_space<hbm>> -> memref<125x80xi32, #tpu.memory_space<hbm>>
      %dma_wait3A_185 = arith.constant 0 : i32
      %dma_wait3A_186 = arith.constant 0 : i32
      %dma_wait3A_187 = tpu.memref_slice %arg3[%run_scoped3A_1, %add3A, %dma_wait3A_185, %dma_wait3A_186] : memref<2x32x125x80xi32, #tpu.memory_space<hbm>> -> memref<1x1x125x80xi32, #tpu.memory_space<hbm>>
      %dma_wait3A_188 = tpu.memref_squeeze %dma_wait3A_187 : memref<1x1x125x80xi32, #tpu.memory_space<hbm>> -> memref<125x80xi32, #tpu.memory_space<hbm>>
      tpu.wait_dma2 semaphore(%run_scoped3A_172 : memref<!tpu.dma_semaphore, #tpu.memory_space<semaphore_mem>>) src(%dma_wait3A_188 : memref<125x80xi32, #tpu.memory_space<hbm>>) dst(%arg6 : memref<125x80xi32, #tpu.memory_space<vmem>>)
      tpu.yield
    }) : () -> ()
    %dma_start3A = arith.constant 0 : i32
    %dma_start3A_2 = arith.constant 0 : i32
    %dma_start3A_3 = arith.constant 0 : i32
    %dma_start3A_4 = arith.constant 0 : i32
    %dma_start3A_5 = tpu.memref_slice %arg7[%dma_start3A_2, %dma_start3A_3, %dma_start3A_4] : memref<3x80x128xf32, #tpu.memory_space<vmem>> -> memref<1x80x128xf32, #tpu.memory_space<vmem>>
    %dma_start3A_6 = tpu.memref_squeeze %dma_start3A_5 : memref<1x80x128xf32, #tpu.memory_space<vmem>> -> memref<80x128xf32, #tpu.memory_space<vmem>>
    %dma_start3A_7 = arith.constant 0 : i32
    %dma_start3A_8 = tpu.memref_slice %arg5[%dma_start3A, %dma_start3A_7] : memref<125x80xi32, #tpu.memory_space<vmem>> -> memref<1x80xi32, #tpu.memory_space<vmem>>
    %dma_start3A_9 = tpu.memref_squeeze %dma_start3A_8 : memref<1x80xi32, #tpu.memory_space<vmem>> -> memref<80xi32, #tpu.memory_space<vmem>>
    %dma_start3A_10 = arith.constant 0 : i32
    %dma_start3A_11 = arith.constant 0 : i32
    %dma_start3A_12 = tpu.memref_slice %arg2[%dma_start3A_10, %dma_start3A_11] : memref<10000x128xf32, #tpu.memory_space<hbm>> -> memref<10000x128xf32, #tpu.memory_space<hbm>>
    tpu.enqueue_indirect_dma source(%dma_start3A_12 : memref<10000x128xf32, #tpu.memory_space<hbm>>) target(%dma_start3A_6 : memref<80x128xf32, #tpu.memory_space<vmem>>) offsets(%dma_start3A_9 : memref<80xi32, #tpu.memory_space<vmem>>) semaphore(%arg9 : memref<!tpu.dma_semaphore, #tpu.memory_space<semaphore_mem>>)
    %broadcast_in_dim3A = arith.constant 0.000000e+00 : f32
    %broadcast_in_dim3A_13 = vector.broadcast %broadcast_in_dim3A : f32 to vector<16xf32>
    %scan3A = arith.constant 0 : i32
    %scan3A_14 = arith.constant 0 : i32
    %scan3A_15 = arith.constant 640 : i32
    %scan3A_16 = arith.addi %scan3A_14, %scan3A_15 : i32
    %scan3A_17 = arith.constant 1 : i32
    %scan3A_18 = scf.for %scan3A_172 = %scan3A_14 to %scan3A_16 step %scan3A_17 iter_args(%scan3A_173 = %scan3A) -> (i32)  : i32 {
      %jit3A = arith.constant 8 : i32
      %div3A = arith.divsi %scan3A_172, %jit3A : i32
      %sign3A = arith.constant 0 : i32
      %sign3A_174 = arith.cmpi sgt, %scan3A_172, %sign3A : i32
      %sign3A_175 = arith.extui %sign3A_174 : i1 to i32
      %sign3A_176 = arith.constant 0 : i32
      %sign3A_177 = arith.cmpi slt, %scan3A_172, %sign3A_176 : i32
      %sign3A_178 = arith.extui %sign3A_177 : i1 to i32
      %sign3A_179 = arith.subi %sign3A_175, %sign3A_178 : i32
      %sign3A_180 = arith.constant 0 : i32
      %sign3A_181 = arith.cmpi sgt, %jit3A, %sign3A_180 : i32
      %sign3A_182 = arith.extui %sign3A_181 : i1 to i32
      %sign3A_183 = arith.constant 0 : i32
      %sign3A_184 = arith.cmpi slt, %jit3A, %sign3A_183 : i32
      %sign3A_185 = arith.extui %sign3A_184 : i1 to i32
      %sign3A_186 = arith.subi %sign3A_182, %sign3A_185 : i32
      %ne3A = arith.cmpi ne, %sign3A_179, %sign3A_186 : i32
      %rem3A = arith.remsi %scan3A_172, %jit3A : i32
      %ne3A_187 = arith.constant 0 : i32
      %ne3A_188 = arith.cmpi ne, %rem3A, %ne3A_187 : i32
      %and3A = arith.andi %ne3A, %ne3A_188 : i1
      %sub3A_189 = arith.constant 1 : i32
      %sub3A_190 = arith.subi %div3A, %sub3A_189 : i32
      %select_n3A = arith.select %and3A, %sub3A_190, %div3A : i32
      %jit3A_191 = arith.constant 8 : i32
      %eq3A = arith.constant 0 : i32
      %eq3A_192 = arith.cmpi eq, %jit3A_191, %eq3A : i32
      %jit3A_193 = arith.constant 1 : i32
      %select_n3A_194 = arith.select %eq3A_192, %jit3A_193, %jit3A_191 : i32
      %rem3A_195 = arith.remsi %scan3A_172, %select_n3A_194 : i32
      %ne3A_196 = arith.constant 0 : i32
      %ne3A_197 = arith.cmpi ne, %rem3A_195, %ne3A_196 : i32
      %lt3A = arith.constant 0 : i32
      %lt3A_198 = arith.cmpi slt, %rem3A_195, %lt3A : i32
      %lt3A_199 = arith.constant 0 : i32
      %lt3A_200 = arith.cmpi slt, %select_n3A_194, %lt3A_199 : i32
      %ne3A_201 = arith.xori %lt3A_198, %lt3A_200 : i1
      %and3A_202 = arith.andi %ne3A_201, %ne3A_197 : i1
      %add3A_203 = arith.addi %rem3A_195, %select_n3A_194 : i32
      %select_n3A_204 = arith.select %and3A_202, %add3A_203, %rem3A_195 : i32
      %mul3A_205 = arith.constant 16 : i32
      %mul3A_206 = arith.muli %select_n3A_204, %mul3A_205 : i32
      %swap3A = arith.constant 1 : i32
      %swap3A_207 = arith.index_cast %swap3A : i32 to index
      %swap3A_208 = arith.index_cast %select_n3A : i32 to index
      %swap3A_209 = arith.index_cast %mul3A_206 : i32 to index
      %swap3A_210 = tpu.vector_load %arg7[%swap3A_207, %swap3A_208, %swap3A_209] {strides = array<i32>} : memref<3x80x128xf32, #tpu.memory_space<vmem>>, vector<1x1x16xf32>,
      %swap3A_211 = vector.shape_cast %swap3A_210 : vector<1x1x16xf32> to vector<16xf32>
      %swap3A_212 = vector.shape_cast %broadcast_in_dim3A_13 : vector<16xf32> to vector<1x1x16xf32>
      tpu.vector_store %arg7[%swap3A_207, %swap3A_208, %swap3A_209], %swap3A_212 {strides = array<i32>} : memref<3x80x128xf32, #tpu.memory_space<vmem>>, vector<1x1x16xf32>,
      %scan3A_213 = arith.constant 0 : i32
      scf.yield %scan3A_213 : i32
    }
    %scan3A_19 = arith.constant 640 : i32
    %mul3A_20 = arith.constant 625 : i32
    %mul3A_21 = arith.muli %arg1, %mul3A_20 : i32
    %add3A_22 = arith.constant 0 : i32
    %add3A_23 = arith.addi %mul3A_21, %add3A_22 : i32
    %run_scoped3A_24 = arith.constant 1 : i32
    "tpu.region"() ({
      %run_scoped3A_172 = tpu.sem_alloc : memref<!tpu.dma_semaphore, #tpu.memory_space<semaphore_mem>>
      %dma_start3A_173 = arith.constant 0 : i32
      %dma_start3A_174 = arith.constant 0 : i32
      %dma_start3A_175 = tpu.memref_slice %arg7[%run_scoped3A_24, %dma_start3A_173, %dma_start3A_174] : memref<3x80x128xf32, #tpu.memory_space<vmem>> -> memref<1x80x128xf32, #tpu.memory_space<vmem>>
      %dma_start3A_176 = tpu.memref_squeeze %dma_start3A_175 : memref<1x80x128xf32, #tpu.memory_space<vmem>> -> memref<80x128xf32, #tpu.memory_space<vmem>>
      %dma_start3A_177 = arith.constant 0 : i32
      %dma_start3A_178 = tpu.memref_slice %arg8[%add3A_23, %dma_start3A_177] : memref<10000x128xf32, #tpu.memory_space<vmem_shared>> -> memref<80x128xf32, #tpu.memory_space<vmem_shared>>
      %dma_start3A_179 = arith.constant 0 : i32
      %dma_start3A_180 = tpu.memref_slice %arg8[%add3A_23, %dma_start3A_179] : memref<10000x128xf32, #tpu.memory_space<vmem_shared>> -> memref<80x128xf32, #tpu.memory_space<vmem_shared>>
      %dma_start3A_181 = arith.constant 0 : i32
      %dma_start3A_182 = arith.constant 0 : i32
      %dma_start3A_183 = tpu.memref_slice %arg7[%run_scoped3A_24, %dma_start3A_181, %dma_start3A_182] : memref<3x80x128xf32, #tpu.memory_space<vmem>> -> memref<1x80x128xf32, #tpu.memory_space<vmem>>
      %dma_start3A_184 = tpu.memref_squeeze %dma_start3A_183 : memref<1x80x128xf32, #tpu.memory_space<vmem>> -> memref<80x128xf32, #tpu.memory_space<vmem>>
      tpu.enqueue_dma source(%dma_start3A_184 : memref<80x128xf32, #tpu.memory_space<vmem>>) target(%dma_start3A_180 : memref<80x128xf32, #tpu.memory_space<vmem_shared>>) target_semaphore(%run_scoped3A_172 : memref<!tpu.dma_semaphore, #tpu.memory_space<semaphore_mem>>)
      %dma_wait3A_185 = arith.constant 0 : i32
      %dma_wait3A_186 = arith.constant 0 : i32
      %dma_wait3A_187 = tpu.memref_slice %arg7[%run_scoped3A_24, %dma_wait3A_185, %dma_wait3A_186] : memref<3x80x128xf32, #tpu.memory_space<vmem>> -> memref<1x80x128xf32, #tpu.memory_space<vmem>>
      %dma_wait3A_188 = tpu.memref_squeeze %dma_wait3A_187 : memref<1x80x128xf32, #tpu.memory_space<vmem>> -> memref<80x128xf32, #tpu.memory_space<vmem>>
      %dma_wait3A_189 = arith.constant 0 : i32
      %dma_wait3A_190 = tpu.memref_slice %arg8[%add3A_23, %dma_wait3A_189] : memref<10000x128xf32, #tpu.memory_space<vmem_shared>> -> memref<80x128xf32, #tpu.memory_space<vmem_shared>>
      %dma_wait3A_191 = arith.constant 0 : i32
      %dma_wait3A_192 = tpu.memref_slice %arg8[%add3A_23, %dma_wait3A_191] : memref<10000x128xf32, #tpu.memory_space<vmem_shared>> -> memref<80x128xf32, #tpu.memory_space<vmem_shared>>
      %dma_wait3A_193 = arith.constant 0 : i32
      %dma_wait3A_194 = arith.constant 0 : i32
      %dma_wait3A_195 = tpu.memref_slice %arg7[%run_scoped3A_24, %dma_wait3A_193, %dma_wait3A_194] : memref<3x80x128xf32, #tpu.memory_space<vmem>> -> memref<1x80x128xf32, #tpu.memory_space<vmem>>
      %dma_wait3A_196 = tpu.memref_squeeze %dma_wait3A_195 : memref<1x80x128xf32, #tpu.memory_space<vmem>> -> memref<80x128xf32, #tpu.memory_space<vmem>>
      tpu.wait_dma2 semaphore(%run_scoped3A_172 : memref<!tpu.dma_semaphore, #tpu.memory_space<semaphore_mem>>) src(%dma_wait3A_196 : memref<80x128xf32, #tpu.memory_space<vmem>>) dst(%dma_wait3A_192 : memref<80x128xf32, #tpu.memory_space<vmem_shared>>)
      tpu.yield
    }) : () -> ()
    %add3A_25 = arith.constant 80 : i32
    %add3A_26 = arith.addi %mul3A_21, %add3A_25 : i32
    %run_scoped3A_27 = arith.constant 1 : i32
    "tpu.region"() ({
      %run_scoped3A_172 = tpu.sem_alloc : memref<!tpu.dma_semaphore, #tpu.memory_space<semaphore_mem>>
      %dma_start3A_173 = arith.constant 0 : i32
      %dma_start3A_174 = arith.constant 0 : i32
      %dma_start3A_175 = tpu.memref_slice %arg7[%run_scoped3A_27, %dma_start3A_173, %dma_start3A_174] : memref<3x80x128xf32, #tpu.memory_space<vmem>> -> memref<1x80x128xf32, #tpu.memory_space<vmem>>
      %dma_start3A_176 = tpu.memref_squeeze %dma_start3A_175 : memref<1x80x128xf32, #tpu.memory_space<vmem>> -> memref<80x128xf32, #tpu.memory_space<vmem>>
      %dma_start3A_177 = arith.constant 0 : i32
      %dma_start3A_178 = tpu.memref_slice %arg8[%add3A_26, %dma_start3A_177] : memref<10000x128xf32, #tpu.memory_space<vmem_shared>> -> memref<80x128xf32, #tpu.memory_space<vmem_shared>>
      %dma_start3A_179 = arith.constant 0 : i32
      %dma_start3A_180 = tpu.memref_slice %arg8[%add3A_26, %dma_start3A_179] : memref<10000x128xf32, #tpu.memory_space<vmem_shared>> -> memref<80x128xf32, #tpu.memory_space<vmem_shared>>
      %dma_start3A_181 = arith.constant 0 : i32
      %dma_start3A_182 = arith.constant 0 : i32
      %dma_start3A_183 = tpu.memref_slice %arg7[%run_scoped3A_27, %dma_start3A_181, %dma_start3A_182] : memref<3x80x128xf32, #tpu.memory_space<vmem>> -> memref<1x80x128xf32, #tpu.memory_space<vmem>>
      %dma_start3A_184 = tpu.memref_squeeze %dma_start3A_183 : memref<1x80x128xf32, #tpu.memory_space<vmem>> -> memref<80x128xf32, #tpu.memory_space<vmem>>
      tpu.enqueue_dma source(%dma_start3A_184 : memref<80x128xf32, #tpu.memory_space<vmem>>) target(%dma_start3A_180 : memref<80x128xf32, #tpu.memory_space<vmem_shared>>) target_semaphore(%run_scoped3A_172 : memref<!tpu.dma_semaphore, #tpu.memory_space<semaphore_mem>>)
      %dma_wait3A_185 = arith.constant 0 : i32
      %dma_wait3A_186 = arith.constant 0 : i32
      %dma_wait3A_187 = tpu.memref_slice %arg7[%run_scoped3A_27, %dma_wait3A_185, %dma_wait3A_186] : memref<3x80x128xf32, #tpu.memory_space<vmem>> -> memref<1x80x128xf32, #tpu.memory_space<vmem>>
      %dma_wait3A_188 = tpu.memref_squeeze %dma_wait3A_187 : memref<1x80x128xf32, #tpu.memory_space<vmem>> -> memref<80x128xf32, #tpu.memory_space<vmem>>
      %dma_wait3A_189 = arith.constant 0 : i32
      %dma_wait3A_190 = tpu.memref_slice %arg8[%add3A_26, %dma_wait3A_189] : memref<10000x128xf32, #tpu.memory_space<vmem_shared>> -> memref<80x128xf32, #tpu.memory_space<vmem_shared>>
      %dma_wait3A_191 = arith.constant 0 : i32
      %dma_wait3A_192 = tpu.memref_slice %arg8[%add3A_26, %dma_wait3A_191] : memref<10000x128xf32, #tpu.memory_space<vmem_shared>> -> memref<80x128xf32, #tpu.memory_space<vmem_shared>>
      %dma_wait3A_193 = arith.constant 0 : i32
      %dma_wait3A_194 = arith.constant 0 : i32
      %dma_wait3A_195 = tpu.memref_slice %arg7[%run_scoped3A_27, %dma_wait3A_193, %dma_wait3A_194] : memref<3x80x128xf32, #tpu.memory_space<vmem>> -> memref<1x80x128xf32, #tpu.memory_space<vmem>>
      %dma_wait3A_196 = tpu.memref_squeeze %dma_wait3A_195 : memref<1x80x128xf32, #tpu.memory_space<vmem>> -> memref<80x128xf32, #tpu.memory_space<vmem>>
      tpu.wait_dma2 semaphore(%run_scoped3A_172 : memref<!tpu.dma_semaphore, #tpu.memory_space<semaphore_mem>>) src(%dma_wait3A_196 : memref<80x128xf32, #tpu.memory_space<vmem>>) dst(%dma_wait3A_192 : memref<80x128xf32, #tpu.memory_space<vmem_shared>>)
      tpu.yield
    }) : () -> ()
    %add3A_28 = arith.constant 160 : i32
    %add3A_29 = arith.addi %mul3A_21, %add3A_28 : i32
    %run_scoped3A_30 = arith.constant 1 : i32
    "tpu.region"() ({
      %run_scoped3A_172 = tpu.sem_alloc : memref<!tpu.dma_semaphore, #tpu.memory_space<semaphore_mem>>
      %dma_start3A_173 = arith.constant 0 : i32
      %dma_start3A_174 = arith.constant 0 : i32
      %dma_start3A_175 = tpu.memref_slice %arg7[%run_scoped3A_30, %dma_start3A_173, %dma_start3A_174] : memref<3x80x128xf32, #tpu.memory_space<vmem>> -> memref<1x80x128xf32, #tpu.memory_space<vmem>>
      %dma_start3A_176 = tpu.memref_squeeze %dma_start3A_175 : memref<1x80x128xf32, #tpu.memory_space<vmem>> -> memref<80x128xf32, #tpu.memory_space<vmem>>
      %dma_start3A_177 = arith.constant 0 : i32
      %dma_start3A_178 = tpu.memref_slice %arg8[%add3A_29, %dma_start3A_177] : memref<10000x128xf32, #tpu.memory_space<vmem_shared>> -> memref<80x128xf32, #tpu.memory_space<vmem_shared>>
      %dma_start3A_179 = arith.constant 0 : i32
      %dma_start3A_180 = tpu.memref_slice %arg8[%add3A_29, %dma_start3A_179] : memref<10000x128xf32, #tpu.memory_space<vmem_shared>> -> memref<80x128xf32, #tpu.memory_space<vmem_shared>>
      %dma_start3A_181 = arith.constant 0 : i32
      %dma_start3A_182 = arith.constant 0 : i32
      %dma_start3A_183 = tpu.memref_slice %arg7[%run_scoped3A_30, %dma_start3A_181, %dma_start3A_182] : memref<3x80x128xf32, #tpu.memory_space<vmem>> -> memref<1x80x128xf32, #tpu.memory_space<vmem>>
      %dma_start3A_184 = tpu.memref_squeeze %dma_start3A_183 : memref<1x80x128xf32, #tpu.memory_space<vmem>> -> memref<80x128xf32, #tpu.memory_space<vmem>>
      tpu.enqueue_dma source(%dma_start3A_184 : memref<80x128xf32, #tpu.memory_space<vmem>>) target(%dma_start3A_180 : memref<80x128xf32, #tpu.memory_space<vmem_shared>>) target_semaphore(%run_scoped3A_172 : memref<!tpu.dma_semaphore, #tpu.memory_space<semaphore_mem>>)
      %dma_wait3A_185 = arith.constant 0 : i32
      %dma_wait3A_186 = arith.constant 0 : i32
      %dma_wait3A_187 = tpu.memref_slice %arg7[%run_scoped3A_30, %dma_wait3A_185, %dma_wait3A_186] : memref<3x80x128xf32, #tpu.memory_space<vmem>> -> memref<1x80x128xf32, #tpu.memory_space<vmem>>
      %dma_wait3A_188 = tpu.memref_squeeze %dma_wait3A_187 : memref<1x80x128xf32, #tpu.memory_space<vmem>> -> memref<80x128xf32, #tpu.memory_space<vmem>>
      %dma_wait3A_189 = arith.constant 0 : i32
      %dma_wait3A_190 = tpu.memref_slice %arg8[%add3A_29, %dma_wait3A_189] : memref<10000x128xf32, #tpu.memory_space<vmem_shared>> -> memref<80x128xf32, #tpu.memory_space<vmem_shared>>
      %dma_wait3A_191 = arith.constant 0 : i32
      %dma_wait3A_192 = tpu.memref_slice %arg8[%add3A_29, %dma_wait3A_191] : memref<10000x128xf32, #tpu.memory_space<vmem_shared>> -> memref<80x128xf32, #tpu.memory_space<vmem_shared>>
      %dma_wait3A_193 = arith.constant 0 : i32
      %dma_wait3A_194 = arith.constant 0 : i32
      %dma_wait3A_195 = tpu.memref_slice %arg7[%run_scoped3A_30, %dma_wait3A_193, %dma_wait3A_194] : memref<3x80x128xf32, #tpu.memory_space<vmem>> -> memref<1x80x128xf32, #tpu.memory_space<vmem>>
      %dma_wait3A_196 = tpu.memref_squeeze %dma_wait3A_195 : memref<1x80x128xf32, #tpu.memory_space<vmem>> -> memref<80x128xf32, #tpu.memory_space<vmem>>
      tpu.wait_dma2 semaphore(%run_scoped3A_172 : memref<!tpu.dma_semaphore, #tpu.memory_space<semaphore_mem>>) src(%dma_wait3A_196 : memref<80x128xf32, #tpu.memory_space<vmem>>) dst(%dma_wait3A_192 : memref<80x128xf32, #tpu.memory_space<vmem_shared>>)
      tpu.yield
    }) : () -> ()
    %add3A_31 = arith.constant 240 : i32
    %add3A_32 = arith.addi %mul3A_21, %add3A_31 : i32
    %run_scoped3A_33 = arith.constant 1 : i32
    "tpu.region"() ({
      %run_scoped3A_172 = tpu.sem_alloc : memref<!tpu.dma_semaphore, #tpu.memory_space<semaphore_mem>>
      %dma_start3A_173 = arith.constant 0 : i32
      %dma_start3A_174 = arith.constant 0 : i32
      %dma_start3A_175 = tpu.memref_slice %arg7[%run_scoped3A_33, %dma_start3A_173, %dma_start3A_174] : memref<3x80x128xf32, #tpu.memory_space<vmem>> -> memref<1x80x128xf32, #tpu.memory_space<vmem>>
      %dma_start3A_176 = tpu.memref_squeeze %dma_start3A_175 : memref<1x80x128xf32, #tpu.memory_space<vmem>> -> memref<80x128xf32, #tpu.memory_space<vmem>>
      %dma_start3A_177 = arith.constant 0 : i32
      %dma_start3A_178 = tpu.memref_slice %arg8[%add3A_32, %dma_start3A_177] : memref<10000x128xf32, #tpu.memory_space<vmem_shared>> -> memref<80x128xf32, #tpu.memory_space<vmem_shared>>
      %dma_start3A_179 = arith.constant 0 : i32
      %dma_start3A_180 = tpu.memref_slice %arg8[%add3A_32, %dma_start3A_179] : memref<10000x128xf32, #tpu.memory_space<vmem_shared>> -> memref<80x128xf32, #tpu.memory_space<vmem_shared>>
      %dma_start3A_181 = arith.constant 0 : i32
      %dma_start3A_182 = arith.constant 0 : i32
      %dma_start3A_183 = tpu.memref_slice %arg7[%run_scoped3A_33, %dma_start3A_181, %dma_start3A_182] : memref<3x80x128xf32, #tpu.memory_space<vmem>> -> memref<1x80x128xf32, #tpu.memory_space<vmem>>
      %dma_start3A_184 = tpu.memref_squeeze %dma_start3A_183 : memref<1x80x128xf32, #tpu.memory_space<vmem>> -> memref<80x128xf32, #tpu.memory_space<vmem>>
      tpu.enqueue_dma source(%dma_start3A_184 : memref<80x128xf32, #tpu.memory_space<vmem>>) target(%dma_start3A_180 : memref<80x128xf32, #tpu.memory_space<vmem_shared>>) target_semaphore(%run_scoped3A_172 : memref<!tpu.dma_semaphore, #tpu.memory_space<semaphore_mem>>)
      %dma_wait3A_185 = arith.constant 0 : i32
      %dma_wait3A_186 = arith.constant 0 : i32
      %dma_wait3A_187 = tpu.memref_slice %arg7[%run_scoped3A_33, %dma_wait3A_185, %dma_wait3A_186] : memref<3x80x128xf32, #tpu.memory_space<vmem>> -> memref<1x80x128xf32, #tpu.memory_space<vmem>>
      %dma_wait3A_188 = tpu.memref_squeeze %dma_wait3A_187 : memref<1x80x128xf32, #tpu.memory_space<vmem>> -> memref<80x128xf32, #tpu.memory_space<vmem>>
      %dma_wait3A_189 = arith.constant 0 : i32
      %dma_wait3A_190 = tpu.memref_slice %arg8[%add3A_32, %dma_wait3A_189] : memref<10000x128xf32, #tpu.memory_space<vmem_shared>> -> memref<80x128xf32, #tpu.memory_space<vmem_shared>>
      %dma_wait3A_191 = arith.constant 0 : i32
      %dma_wait3A_192 = tpu.memref_slice %arg8[%add3A_32, %dma_wait3A_191] : memref<10000x128xf32, #tpu.memory_space<vmem_shared>> -> memref<80x128xf32, #tpu.memory_space<vmem_shared>>
      %dma_wait3A_193 = arith.constant 0 : i32
      %dma_wait3A_194 = arith.constant 0 : i32
      %dma_wait3A_195 = tpu.memref_slice %arg7[%run_scoped3A_33, %dma_wait3A_193, %dma_wait3A_194] : memref<3x80x128xf32, #tpu.memory_space<vmem>> -> memref<1x80x128xf32, #tpu.memory_space<vmem>>
      %dma_wait3A_196 = tpu.memref_squeeze %dma_wait3A_195 : memref<1x80x128xf32, #tpu.memory_space<vmem>> -> memref<80x128xf32, #tpu.memory_space<vmem>>
      tpu.wait_dma2 semaphore(%run_scoped3A_172 : memref<!tpu.dma_semaphore, #tpu.memory_space<semaphore_mem>>) src(%dma_wait3A_196 : memref<80x128xf32, #tpu.memory_space<vmem>>) dst(%dma_wait3A_192 : memref<80x128xf32, #tpu.memory_space<vmem_shared>>)
      tpu.yield
    }) : () -> ()
    %add3A_34 = arith.constant 320 : i32
    %add3A_35 = arith.addi %mul3A_21, %add3A_34 : i32
    %run_scoped3A_36 = arith.constant 1 : i32
    "tpu.region"() ({
      %run_scoped3A_172 = tpu.sem_alloc : memref<!tpu.dma_semaphore, #tpu.memory_space<semaphore_mem>>
      %dma_start3A_173 = arith.constant 0 : i32
      %dma_start3A_174 = arith.constant 0 : i32
      %dma_start3A_175 = tpu.memref_slice %arg7[%run_scoped3A_36, %dma_start3A_173, %dma_start3A_174] : memref<3x80x128xf32, #tpu.memory_space<vmem>> -> memref<1x80x128xf32, #tpu.memory_space<vmem>>
      %dma_start3A_176 = tpu.memref_squeeze %dma_start3A_175 : memref<1x80x128xf32, #tpu.memory_space<vmem>> -> memref<80x128xf32, #tpu.memory_space<vmem>>
      %dma_start3A_177 = arith.constant 0 : i32
      %dma_start3A_178 = tpu.memref_slice %arg8[%add3A_35, %dma_start3A_177] : memref<10000x128xf32, #tpu.memory_space<vmem_shared>> -> memref<80x128xf32, #tpu.memory_space<vmem_shared>>
      %dma_start3A_179 = arith.constant 0 : i32
      %dma_start3A_180 = tpu.memref_slice %arg8[%add3A_35, %dma_start3A_179] : memref<10000x128xf32, #tpu.memory_space<vmem_shared>> -> memref<80x128xf32, #tpu.memory_space<vmem_shared>>
      %dma_start3A_181 = arith.constant 0 : i32
      %dma_start3A_182 = arith.constant 0 : i32
      %dma_start3A_183 = tpu.memref_slice %arg7[%run_scoped3A_36, %dma_start3A_181, %dma_start3A_182] : memref<3x80x128xf32, #tpu.memory_space<vmem>> -> memref<1x80x128xf32, #tpu.memory_space<vmem>>
      %dma_start3A_184 = tpu.memref_squeeze %dma_start3A_183 : memref<1x80x128xf32, #tpu.memory_space<vmem>> -> memref<80x128xf32, #tpu.memory_space<vmem>>
      tpu.enqueue_dma source(%dma_start3A_184 : memref<80x128xf32, #tpu.memory_space<vmem>>) target(%dma_start3A_180 : memref<80x128xf32, #tpu.memory_space<vmem_shared>>) target_semaphore(%run_scoped3A_172 : memref<!tpu.dma_semaphore, #tpu.memory_space<semaphore_mem>>)
      %dma_wait3A_185 = arith.constant 0 : i32
      %dma_wait3A_186 = arith.constant 0 : i32
      %dma_wait3A_187 = tpu.memref_slice %arg7[%run_scoped3A_36, %dma_wait3A_185, %dma_wait3A_186] : memref<3x80x128xf32, #tpu.memory_space<vmem>> -> memref<1x80x128xf32, #tpu.memory_space<vmem>>
      %dma_wait3A_188 = tpu.memref_squeeze %dma_wait3A_187 : memref<1x80x128xf32, #tpu.memory_space<vmem>> -> memref<80x128xf32, #tpu.memory_space<vmem>>
      %dma_wait3A_189 = arith.constant 0 : i32
      %dma_wait3A_190 = tpu.memref_slice %arg8[%add3A_35, %dma_wait3A_189] : memref<10000x128xf32, #tpu.memory_space<vmem_shared>> -> memref<80x128xf32, #tpu.memory_space<vmem_shared>>
      %dma_wait3A_191 = arith.constant 0 : i32
      %dma_wait3A_192 = tpu.memref_slice %arg8[%add3A_35, %dma_wait3A_191] : memref<10000x128xf32, #tpu.memory_space<vmem_shared>> -> memref<80x128xf32, #tpu.memory_space<vmem_shared>>
      %dma_wait3A_193 = arith.constant 0 : i32
      %dma_wait3A_194 = arith.constant 0 : i32
      %dma_wait3A_195 = tpu.memref_slice %arg7[%run_scoped3A_36, %dma_wait3A_193, %dma_wait3A_194] : memref<3x80x128xf32, #tpu.memory_space<vmem>> -> memref<1x80x128xf32, #tpu.memory_space<vmem>>
      %dma_wait3A_196 = tpu.memref_squeeze %dma_wait3A_195 : memref<1x80x128xf32, #tpu.memory_space<vmem>> -> memref<80x128xf32, #tpu.memory_space<vmem>>
      tpu.wait_dma2 semaphore(%run_scoped3A_172 : memref<!tpu.dma_semaphore, #tpu.memory_space<semaphore_mem>>) src(%dma_wait3A_196 : memref<80x128xf32, #tpu.memory_space<vmem>>) dst(%dma_wait3A_192 : memref<80x128xf32, #tpu.memory_space<vmem_shared>>)
      tpu.yield
    }) : () -> ()
    %add3A_37 = arith.constant 400 : i32
    %add3A_38 = arith.addi %mul3A_21, %add3A_37 : i32
    %run_scoped3A_39 = arith.constant 1 : i32
    "tpu.region"() ({
      %run_scoped3A_172 = tpu.sem_alloc : memref<!tpu.dma_semaphore, #tpu.memory_space<semaphore_mem>>
      %dma_start3A_173 = arith.constant 0 : i32
      %dma_start3A_174 = arith.constant 0 : i32
      %dma_start3A_175 = tpu.memref_slice %arg7[%run_scoped3A_39, %dma_start3A_173, %dma_start3A_174] : memref<3x80x128xf32, #tpu.memory_space<vmem>> -> memref<1x80x128xf32, #tpu.memory_space<vmem>>
      %dma_start3A_176 = tpu.memref_squeeze %dma_start3A_175 : memref<1x80x128xf32, #tpu.memory_space<vmem>> -> memref<80x128xf32, #tpu.memory_space<vmem>>
      %dma_start3A_177 = arith.constant 0 : i32
      %dma_start3A_178 = tpu.memref_slice %arg8[%add3A_38, %dma_start3A_177] : memref<10000x128xf32, #tpu.memory_space<vmem_shared>> -> memref<80x128xf32, #tpu.memory_space<vmem_shared>>
      %dma_start3A_179 = arith.constant 0 : i32
      %dma_start3A_180 = tpu.memref_slice %arg8[%add3A_38, %dma_start3A_179] : memref<10000x128xf32, #tpu.memory_space<vmem_shared>> -> memref<80x128xf32, #tpu.memory_space<vmem_shared>>
      %dma_start3A_181 = arith.constant 0 : i32
      %dma_start3A_182 = arith.constant 0 : i32
      %dma_start3A_183 = tpu.memref_slice %arg7[%run_scoped3A_39, %dma_start3A_181, %dma_start3A_182] : memref<3x80x128xf32, #tpu.memory_space<vmem>> -> memref<1x80x128xf32, #tpu.memory_space<vmem>>
      %dma_start3A_184 = tpu.memref_squeeze %dma_start3A_183 : memref<1x80x128xf32, #tpu.memory_space<vmem>> -> memref<80x128xf32, #tpu.memory_space<vmem>>
      tpu.enqueue_dma source(%dma_start3A_184 : memref<80x128xf32, #tpu.memory_space<vmem>>) target(%dma_start3A_180 : memref<80x128xf32, #tpu.memory_space<vmem_shared>>) target_semaphore(%run_scoped3A_172 : memref<!tpu.dma_semaphore, #tpu.memory_space<semaphore_mem>>)
      %dma_wait3A_185 = arith.constant 0 : i32
      %dma_wait3A_186 = arith.constant 0 : i32
      %dma_wait3A_187 = tpu.memref_slice %arg7[%run_scoped3A_39, %dma_wait3A_185, %dma_wait3A_186] : memref<3x80x128xf32, #tpu.memory_space<vmem>> -> memref<1x80x128xf32, #tpu.memory_space<vmem>>
      %dma_wait3A_188 = tpu.memref_squeeze %dma_wait3A_187 : memref<1x80x128xf32, #tpu.memory_space<vmem>> -> memref<80x128xf32, #tpu.memory_space<vmem>>
      %dma_wait3A_189 = arith.constant 0 : i32
      %dma_wait3A_190 = tpu.memref_slice %arg8[%add3A_38, %dma_wait3A_189] : memref<10000x128xf32, #tpu.memory_space<vmem_shared>> -> memref<80x128xf32, #tpu.memory_space<vmem_shared>>
      %dma_wait3A_191 = arith.constant 0 : i32
      %dma_wait3A_192 = tpu.memref_slice %arg8[%add3A_38, %dma_wait3A_191] : memref<10000x128xf32, #tpu.memory_space<vmem_shared>> -> memref<80x128xf32, #tpu.memory_space<vmem_shared>>
      %dma_wait3A_193 = arith.constant 0 : i32
      %dma_wait3A_194 = arith.constant 0 : i32
      %dma_wait3A_195 = tpu.memref_slice %arg7[%run_scoped3A_39, %dma_wait3A_193, %dma_wait3A_194] : memref<3x80x128xf32, #tpu.memory_space<vmem>> -> memref<1x80x128xf32, #tpu.memory_space<vmem>>
      %dma_wait3A_196 = tpu.memref_squeeze %dma_wait3A_195 : memref<1x80x128xf32, #tpu.memory_space<vmem>> -> memref<80x128xf32, #tpu.memory_space<vmem>>
      tpu.wait_dma2 semaphore(%run_scoped3A_172 : memref<!tpu.dma_semaphore, #tpu.memory_space<semaphore_mem>>) src(%dma_wait3A_196 : memref<80x128xf32, #tpu.memory_space<vmem>>) dst(%dma_wait3A_192 : memref<80x128xf32, #tpu.memory_space<vmem_shared>>)
      tpu.yield
    }) : () -> ()
    %add3A_40 = arith.constant 480 : i32
    %add3A_41 = arith.addi %mul3A_21, %add3A_40 : i32
    %run_scoped3A_42 = arith.constant 1 : i32
    "tpu.region"() ({
      %run_scoped3A_172 = tpu.sem_alloc : memref<!tpu.dma_semaphore, #tpu.memory_space<semaphore_mem>>
      %dma_start3A_173 = arith.constant 0 : i32
      %dma_start3A_174 = arith.constant 0 : i32
      %dma_start3A_175 = tpu.memref_slice %arg7[%run_scoped3A_42, %dma_start3A_173, %dma_start3A_174] : memref<3x80x128xf32, #tpu.memory_space<vmem>> -> memref<1x80x128xf32, #tpu.memory_space<vmem>>
      %dma_start3A_176 = tpu.memref_squeeze %dma_start3A_175 : memref<1x80x128xf32, #tpu.memory_space<vmem>> -> memref<80x128xf32, #tpu.memory_space<vmem>>
      %dma_start3A_177 = arith.constant 0 : i32
      %dma_start3A_178 = tpu.memref_slice %arg8[%add3A_41, %dma_start3A_177] : memref<10000x128xf32, #tpu.memory_space<vmem_shared>> -> memref<80x128xf32, #tpu.memory_space<vmem_shared>>
      %dma_start3A_179 = arith.constant 0 : i32
      %dma_start3A_180 = tpu.memref_slice %arg8[%add3A_41, %dma_start3A_179] : memref<10000x128xf32, #tpu.memory_space<vmem_shared>> -> memref<80x128xf32, #tpu.memory_space<vmem_shared>>
      %dma_start3A_181 = arith.constant 0 : i32
      %dma_start3A_182 = arith.constant 0 : i32
      %dma_start3A_183 = tpu.memref_slice %arg7[%run_scoped3A_42, %dma_start3A_181, %dma_start3A_182] : memref<3x80x128xf32, #tpu.memory_space<vmem>> -> memref<1x80x128xf32, #tpu.memory_space<vmem>>
      %dma_start3A_184 = tpu.memref_squeeze %dma_start3A_183 : memref<1x80x128xf32, #tpu.memory_space<vmem>> -> memref<80x128xf32, #tpu.memory_space<vmem>>
      tpu.enqueue_dma source(%dma_start3A_184 : memref<80x128xf32, #tpu.memory_space<vmem>>) target(%dma_start3A_180 : memref<80x128xf32, #tpu.memory_space<vmem_shared>>) target_semaphore(%run_scoped3A_172 : memref<!tpu.dma_semaphore, #tpu.memory_space<semaphore_mem>>)
      %dma_wait3A_185 = arith.constant 0 : i32
      %dma_wait3A_186 = arith.constant 0 : i32
      %dma_wait3A_187 = tpu.memref_slice %arg7[%run_scoped3A_42, %dma_wait3A_185, %dma_wait3A_186] : memref<3x80x128xf32, #tpu.memory_space<vmem>> -> memref<1x80x128xf32, #tpu.memory_space<vmem>>
      %dma_wait3A_188 = tpu.memref_squeeze %dma_wait3A_187 : memref<1x80x128xf32, #tpu.memory_space<vmem>> -> memref<80x128xf32, #tpu.memory_space<vmem>>
      %dma_wait3A_189 = arith.constant 0 : i32
      %dma_wait3A_190 = tpu.memref_slice %arg8[%add3A_41, %dma_wait3A_189] : memref<10000x128xf32, #tpu.memory_space<vmem_shared>> -> memref<80x128xf32, #tpu.memory_space<vmem_shared>>
      %dma_wait3A_191 = arith.constant 0 : i32
      %dma_wait3A_192 = tpu.memref_slice %arg8[%add3A_41, %dma_wait3A_191] : memref<10000x128xf32, #tpu.memory_space<vmem_shared>> -> memref<80x128xf32, #tpu.memory_space<vmem_shared>>
      %dma_wait3A_193 = arith.constant 0 : i32
      %dma_wait3A_194 = arith.constant 0 : i32
      %dma_wait3A_195 = tpu.memref_slice %arg7[%run_scoped3A_42, %dma_wait3A_193, %dma_wait3A_194] : memref<3x80x128xf32, #tpu.memory_space<vmem>> -> memref<1x80x128xf32, #tpu.memory_space<vmem>>
      %dma_wait3A_196 = tpu.memref_squeeze %dma_wait3A_195 : memref<1x80x128xf32, #tpu.memory_space<vmem>> -> memref<80x128xf32, #tpu.memory_space<vmem>>
      tpu.wait_dma2 semaphore(%run_scoped3A_172 : memref<!tpu.dma_semaphore, #tpu.memory_space<semaphore_mem>>) src(%dma_wait3A_196 : memref<80x128xf32, #tpu.memory_space<vmem>>) dst(%dma_wait3A_192 : memref<80x128xf32, #tpu.memory_space<vmem_shared>>)
      tpu.yield
    }) : () -> ()
    %add3A_43 = arith.constant 625 : i32
    %add3A_44 = arith.addi %mul3A_21, %add3A_43 : i32
    %sub3A = arith.constant 65 : i32
    %sub3A_45 = arith.subi %add3A_44, %sub3A : i32
    %run_scoped3A_46 = arith.constant 1 : i32
    "tpu.region"() ({
      %run_scoped3A_172 = tpu.sem_alloc : memref<!tpu.dma_semaphore, #tpu.memory_space<semaphore_mem>>
      %dma_start3A_173 = arith.constant 0 : i32
      %dma_start3A_174 = arith.constant 0 : i32
      %dma_start3A_175 = tpu.memref_slice %arg7[%run_scoped3A_46, %dma_start3A_173, %dma_start3A_174] : memref<3x80x128xf32, #tpu.memory_space<vmem>> -> memref<1x65x128xf32, #tpu.memory_space<vmem>>
      %dma_start3A_176 = tpu.memref_squeeze %dma_start3A_175 : memref<1x65x128xf32, #tpu.memory_space<vmem>> -> memref<65x128xf32, #tpu.memory_space<vmem>>
      %dma_start3A_177 = arith.constant 0 : i32
      %dma_start3A_178 = tpu.memref_slice %arg8[%sub3A_45, %dma_start3A_177] : memref<10000x128xf32, #tpu.memory_space<vmem_shared>> -> memref<65x128xf32, #tpu.memory_space<vmem_shared>>
      %dma_start3A_179 = arith.constant 0 : i32
      %dma_start3A_180 = tpu.memref_slice %arg8[%sub3A_45, %dma_start3A_179] : memref<10000x128xf32, #tpu.memory_space<vmem_shared>> -> memref<65x128xf32, #tpu.memory_space<vmem_shared>>
      %dma_start3A_181 = arith.constant 0 : i32
      %dma_start3A_182 = arith.constant 0 : i32
      %dma_start3A_183 = tpu.memref_slice %arg7[%run_scoped3A_46, %dma_start3A_181, %dma_start3A_182] : memref<3x80x128xf32, #tpu.memory_space<vmem>> -> memref<1x65x128xf32, #tpu.memory_space<vmem>>
      %dma_start3A_184 = tpu.memref_squeeze %dma_start3A_183 : memref<1x65x128xf32, #tpu.memory_space<vmem>> -> memref<65x128xf32, #tpu.memory_space<vmem>>
      tpu.enqueue_dma source(%dma_start3A_184 : memref<65x128xf32, #tpu.memory_space<vmem>>) target(%dma_start3A_180 : memref<65x128xf32, #tpu.memory_space<vmem_shared>>) target_semaphore(%run_scoped3A_172 : memref<!tpu.dma_semaphore, #tpu.memory_space<semaphore_mem>>)
      %dma_wait3A_185 = arith.constant 0 : i32
      %dma_wait3A_186 = arith.constant 0 : i32
      %dma_wait3A_187 = tpu.memref_slice %arg7[%run_scoped3A_46, %dma_wait3A_185, %dma_wait3A_186] : memref<3x80x128xf32, #tpu.memory_space<vmem>> -> memref<1x65x128xf32, #tpu.memory_space<vmem>>
      %dma_wait3A_188 = tpu.memref_squeeze %dma_wait3A_187 : memref<1x65x128xf32, #tpu.memory_space<vmem>> -> memref<65x128xf32, #tpu.memory_space<vmem>>
      %dma_wait3A_189 = arith.constant 0 : i32
      %dma_wait3A_190 = tpu.memref_slice %arg8[%sub3A_45, %dma_wait3A_189] : memref<10000x128xf32, #tpu.memory_space<vmem_shared>> -> memref<65x128xf32, #tpu.memory_space<vmem_shared>>
      %dma_wait3A_191 = arith.constant 0 : i32
      %dma_wait3A_192 = tpu.memref_slice %arg8[%sub3A_45, %dma_wait3A_191] : memref<10000x128xf32, #tpu.memory_space<vmem_shared>> -> memref<65x128xf32, #tpu.memory_space<vmem_shared>>
      %dma_wait3A_193 = arith.constant 0 : i32
      %dma_wait3A_194 = arith.constant 0 : i32
      %dma_wait3A_195 = tpu.memref_slice %arg7[%run_scoped3A_46, %dma_wait3A_193, %dma_wait3A_194] : memref<3x80x128xf32, #tpu.memory_space<vmem>> -> memref<1x65x128xf32, #tpu.memory_space<vmem>>
      %dma_wait3A_196 = tpu.memref_squeeze %dma_wait3A_195 : memref<1x65x128xf32, #tpu.memory_space<vmem>> -> memref<65x128xf32, #tpu.memory_space<vmem>>
      tpu.wait_dma2 semaphore(%run_scoped3A_172 : memref<!tpu.dma_semaphore, #tpu.memory_space<semaphore_mem>>) src(%dma_wait3A_196 : memref<65x128xf32, #tpu.memory_space<vmem>>) dst(%dma_wait3A_192 : memref<65x128xf32, #tpu.memory_space<vmem_shared>>)
      tpu.yield
    }) : () -> ()
    %barrier3A = arith.constant 0 : index
    tpu.barrier barrier_id(%barrier3A)
    %dma_start3A_47 = arith.constant 1 : i32
    %dma_start3A_48 = arith.constant 1 : i32
    %dma_start3A_49 = arith.constant 0 : i32
    %dma_start3A_50 = arith.constant 0 : i32
    %dma_start3A_51 = tpu.memref_slice %arg7[%dma_start3A_48, %dma_start3A_49, %dma_start3A_50] : memref<3x80x128xf32, #tpu.memory_space<vmem>> -> memref<1x80x128xf32, #tpu.memory_space<vmem>>
    %dma_start3A_52 = tpu.memref_squeeze %dma_start3A_51 : memref<1x80x128xf32, #tpu.memory_space<vmem>> -> memref<80x128xf32, #tpu.memory_space<vmem>>
    %dma_start3A_53 = arith.constant 0 : i32
    %dma_start3A_54 = tpu.memref_slice %arg5[%dma_start3A_47, %dma_start3A_53] : memref<125x80xi32, #tpu.memory_space<vmem>> -> memref<1x80xi32, #tpu.memory_space<vmem>>
    %dma_start3A_55 = tpu.memref_squeeze %dma_start3A_54 : memref<1x80xi32, #tpu.memory_space<vmem>> -> memref<80xi32, #tpu.memory_space<vmem>>
    %dma_start3A_56 = arith.constant 0 : i32
    %dma_start3A_57 = arith.constant 0 : i32
    %dma_start3A_58 = tpu.memref_slice %arg2[%dma_start3A_56, %dma_start3A_57] : memref<10000x128xf32, #tpu.memory_space<hbm>> -> memref<10000x128xf32, #tpu.memory_space<hbm>>
    tpu.enqueue_indirect_dma source(%dma_start3A_58 : memref<10000x128xf32, #tpu.memory_space<hbm>>) target(%dma_start3A_52 : memref<80x128xf32, #tpu.memory_space<vmem>>) offsets(%dma_start3A_55 : memref<80xi32, #tpu.memory_space<vmem>>) semaphore(%arg10 : memref<!tpu.dma_semaphore, #tpu.memory_space<semaphore_mem>>)
    %dma_start3A_59 = arith.constant 2 : i32
    %dma_start3A_60 = arith.constant 2 : i32
    %dma_start3A_61 = arith.constant 0 : i32
    %dma_start3A_62 = arith.constant 0 : i32
    %dma_start3A_63 = tpu.memref_slice %arg7[%dma_start3A_60, %dma_start3A_61, %dma_start3A_62] : memref<3x80x128xf32, #tpu.memory_space<vmem>> -> memref<1x80x128xf32, #tpu.memory_space<vmem>>
    %dma_start3A_64 = tpu.memref_squeeze %dma_start3A_63 : memref<1x80x128xf32, #tpu.memory_space<vmem>> -> memref<80x128xf32, #tpu.memory_space<vmem>>
    %dma_start3A_65 = arith.constant 0 : i32
    %dma_start3A_66 = tpu.memref_slice %arg5[%dma_start3A_59, %dma_start3A_65] : memref<125x80xi32, #tpu.memory_space<vmem>> -> memref<1x80xi32, #tpu.memory_space<vmem>>
    %dma_start3A_67 = tpu.memref_squeeze %dma_start3A_66 : memref<1x80xi32, #tpu.memory_space<vmem>> -> memref<80xi32, #tpu.memory_space<vmem>>
    %dma_start3A_68 = arith.constant 0 : i32
    %dma_start3A_69 = arith.constant 0 : i32
    %dma_start3A_70 = tpu.memref_slice %arg2[%dma_start3A_68, %dma_start3A_69] : memref<10000x128xf32, #tpu.memory_space<hbm>> -> memref<10000x128xf32, #tpu.memory_space<hbm>>
    tpu.enqueue_indirect_dma source(%dma_start3A_70 : memref<10000x128xf32, #tpu.memory_space<hbm>>) target(%dma_start3A_64 : memref<80x128xf32, #tpu.memory_space<vmem>>) offsets(%dma_start3A_67 : memref<80xi32, #tpu.memory_space<vmem>>) semaphore(%arg11 : memref<!tpu.dma_semaphore, #tpu.memory_space<semaphore_mem>>)
    %scan3A_71 = arith.constant 0 : i32
    %scan3A_72 = arith.constant 0 : i32
    %scan3A_73 = arith.constant 40 : i32
    %scan3A_74 = arith.addi %scan3A_72, %scan3A_73 : i32
    %scan3A_75 = arith.constant 1 : i32
    %scan3A_76 = scf.for %scan3A_172 = %scan3A_72 to %scan3A_74 step %scan3A_75 iter_args(%scan3A_173 = %scan3A_71) -> (i32)  : i32 {
      %mul3A_174 = arith.constant 3 : i32
      %mul3A_175 = arith.muli %mul3A_174, %scan3A_172 : i32
      %add3A_176 = arith.constant 0 : i32
      %add3A_177 = arith.addi %mul3A_175, %add3A_176 : i32
      %dma_wait3A_178 = arith.constant 0 : i32
      %dma_wait3A_179 = arith.constant 0 : i32
      %dma_wait3A_180 = arith.constant 0 : i32
      %dma_wait3A_181 = tpu.memref_slice %arg7[%dma_wait3A_178, %dma_wait3A_179, %dma_wait3A_180] : memref<3x80x128xf32, #tpu.memory_space<vmem>> -> memref<1x80x128xf32, #tpu.memory_space<vmem>>
      %dma_wait3A_182 = tpu.memref_squeeze %dma_wait3A_181 : memref<1x80x128xf32, #tpu.memory_space<vmem>> -> memref<80x128xf32, #tpu.memory_space<vmem>>
      %dma_wait3A_183 = arith.constant 0 : i32
      %dma_wait3A_184 = tpu.memref_slice %arg5[%add3A_177, %dma_wait3A_183] : memref<125x80xi32, #tpu.memory_space<vmem>> -> memref<1x80xi32, #tpu.memory_space<vmem>>
      %dma_wait3A_185 = tpu.memref_squeeze %dma_wait3A_184 : memref<1x80xi32, #tpu.memory_space<vmem>> -> memref<80xi32, #tpu.memory_space<vmem>>
      %dma_wait3A_186 = arith.constant 0 : i32
      %dma_wait3A_187 = arith.constant 0 : i32
      %dma_wait3A_188 = tpu.memref_slice %arg2[%dma_wait3A_186, %dma_wait3A_187] : memref<10000x128xf32, #tpu.memory_space<hbm>> -> memref<10000x128xf32, #tpu.memory_space<hbm>>
      tpu.wait_indirect_dma semaphore(%arg9 : memref<!tpu.dma_semaphore, #tpu.memory_space<semaphore_mem>>) src(%dma_wait3A_188 : memref<10000x128xf32, #tpu.memory_space<hbm>>) dst(%dma_wait3A_182 : memref<80x128xf32, #tpu.memory_space<vmem>>)
      %add3A_189 = arith.constant 0 : i32
      %add3A_190 = arith.addi %mul3A_175, %add3A_189 : i32
      %run_scoped3A_191 = arith.constant 0 : i32
      "tpu.region"() ({
        %run_scoped3A_270 = tpu.sem_alloc : memref<!tpu.dma_semaphore, #tpu.memory_space<semaphore_mem>>
        %dma_start3A_271 = arith.constant 0 : i32
        %dma_start3A_272 = arith.constant 0 : i32
        %dma_start3A_273 = tpu.memref_slice %arg7[%run_scoped3A_191, %dma_start3A_271, %dma_start3A_272] : memref<3x80x128xf32, #tpu.memory_space<vmem>> -> memref<1x80x128xf32, #tpu.memory_space<vmem>>
        %dma_start3A_274 = tpu.memref_squeeze %dma_start3A_273 : memref<1x80x128xf32, #tpu.memory_space<vmem>> -> memref<80x128xf32, #tpu.memory_space<vmem>>
        %dma_start3A_275 = arith.constant 0 : i32
        %dma_start3A_276 = tpu.memref_slice %arg6[%add3A_190, %dma_start3A_275] : memref<125x80xi32, #tpu.memory_space<vmem>> -> memref<1x80xi32, #tpu.memory_space<vmem>>
        %dma_start3A_277 = tpu.memref_squeeze %dma_start3A_276 : memref<1x80xi32, #tpu.memory_space<vmem>> -> memref<80xi32, #tpu.memory_space<vmem>>
        %dma_start3A_278 = arith.constant 0 : i32
        %dma_start3A_279 = arith.constant 0 : i32
        %dma_start3A_280 = tpu.memref_slice %arg8[%dma_start3A_278, %dma_start3A_279] : memref<10000x128xf32, #tpu.memory_space<vmem_shared>> -> memref<10000x128xf32, #tpu.memory_space<vmem_shared>>
        tpu.enqueue_indirect_dma source(%dma_start3A_274 : memref<80x128xf32, #tpu.memory_space<vmem>>) target(%dma_start3A_280 : memref<10000x128xf32, #tpu.memory_space<vmem_shared>>) offsets(%dma_start3A_277 : memref<80xi32, #tpu.memory_space<vmem>>) semaphore(%run_scoped3A_270 : memref<!tpu.dma_semaphore, #tpu.memory_space<semaphore_mem>>) {add = true}
        %dma_wait3A_281 = arith.constant 0 : i32
        %dma_wait3A_282 = arith.constant 0 : i32
        %dma_wait3A_283 = tpu.memref_slice %arg7[%run_scoped3A_191, %dma_wait3A_281, %dma_wait3A_282] : memref<3x80x128xf32, #tpu.memory_space<vmem>> -> memref<1x80x128xf32, #tpu.memory_space<vmem>>
        %dma_wait3A_284 = tpu.memref_squeeze %dma_wait3A_283 : memref<1x80x128xf32, #tpu.memory_space<vmem>> -> memref<80x128xf32, #tpu.memory_space<vmem>>
        %dma_wait3A_285 = arith.constant 0 : i32
        %dma_wait3A_286 = tpu.memref_slice %arg6[%add3A_190, %dma_wait3A_285] : memref<125x80xi32, #tpu.memory_space<vmem>> -> memref<1x80xi32, #tpu.memory_space<vmem>>
        %dma_wait3A_287 = tpu.memref_squeeze %dma_wait3A_286 : memref<1x80xi32, #tpu.memory_space<vmem>> -> memref<80xi32, #tpu.memory_space<vmem>>
        %dma_wait3A_288 = arith.constant 0 : i32
        %dma_wait3A_289 = arith.constant 0 : i32
        %dma_wait3A_290 = tpu.memref_slice %arg8[%dma_wait3A_288, %dma_wait3A_289] : memref<10000x128xf32, #tpu.memory_space<vmem_shared>> -> memref<10000x128xf32, #tpu.memory_space<vmem_shared>>
        tpu.wait_indirect_dma semaphore(%run_scoped3A_270 : memref<!tpu.dma_semaphore, #tpu.memory_space<semaphore_mem>>) src(%dma_wait3A_284 : memref<80x128xf32, #tpu.memory_space<vmem>>) dst(%dma_wait3A_290 : memref<10000x128xf32, #tpu.memory_space<vmem_shared>>)
        tpu.yield
      }) : () -> ()
      %add3A_192 = arith.constant 0 : i32
      %add3A_193 = arith.addi %mul3A_175, %add3A_192 : i32
      %add3A_194 = arith.constant 3 : i32
      %add3A_195 = arith.addi %add3A_193, %add3A_194 : i32
      %dma_start3A_196 = arith.constant 0 : i32
      %dma_start3A_197 = arith.constant 0 : i32
      %dma_start3A_198 = arith.constant 0 : i32
      %dma_start3A_199 = tpu.memref_slice %arg7[%dma_start3A_196, %dma_start3A_197, %dma_start3A_198] : memref<3x80x128xf32, #tpu.memory_space<vmem>> -> memref<1x80x128xf32, #tpu.memory_space<vmem>>
      %dma_start3A_200 = tpu.memref_squeeze %dma_start3A_199 : memref<1x80x128xf32, #tpu.memory_space<vmem>> -> memref<80x128xf32, #tpu.memory_space<vmem>>
      %dma_start3A_201 = arith.constant 0 : i32
      %dma_start3A_202 = tpu.memref_slice %arg5[%add3A_195, %dma_start3A_201] : memref<125x80xi32, #tpu.memory_space<vmem>> -> memref<1x80xi32, #tpu.memory_space<vmem>>
      %dma_start3A_203 = tpu.memref_squeeze %dma_start3A_202 : memref<1x80xi32, #tpu.memory_space<vmem>> -> memref<80xi32, #tpu.memory_space<vmem>>
      %dma_start3A_204 = arith.constant 0 : i32
      %dma_start3A_205 = arith.constant 0 : i32
      %dma_start3A_206 = tpu.memref_slice %arg2[%dma_start3A_204, %dma_start3A_205] : memref<10000x128xf32, #tpu.memory_space<hbm>> -> memref<10000x128xf32, #tpu.memory_space<hbm>>
      tpu.enqueue_indirect_dma source(%dma_start3A_206 : memref<10000x128xf32, #tpu.memory_space<hbm>>) target(%dma_start3A_200 : memref<80x128xf32, #tpu.memory_space<vmem>>) offsets(%dma_start3A_203 : memref<80xi32, #tpu.memory_space<vmem>>) semaphore(%arg9 : memref<!tpu.dma_semaphore, #tpu.memory_space<semaphore_mem>>)
      %add3A_207 = arith.constant 1 : i32
      %add3A_208 = arith.addi %mul3A_175, %add3A_207 : i32
      %dma_wait3A_209 = arith.constant 1 : i32
      %dma_wait3A_210 = arith.constant 0 : i32
      %dma_wait3A_211 = arith.constant 0 : i32
      %dma_wait3A_212 = tpu.memref_slice %arg7[%dma_wait3A_209, %dma_wait3A_210, %dma_wait3A_211] : memref<3x80x128xf32, #tpu.memory_space<vmem>> -> memref<1x80x128xf32, #tpu.memory_space<vmem>>
      %dma_wait3A_213 = tpu.memref_squeeze %dma_wait3A_212 : memref<1x80x128xf32, #tpu.memory_space<vmem>> -> memref<80x128xf32, #tpu.memory_space<vmem>>
      %dma_wait3A_214 = arith.constant 0 : i32
      %dma_wait3A_215 = tpu.memref_slice %arg5[%add3A_208, %dma_wait3A_214] : memref<125x80xi32, #tpu.memory_space<vmem>> -> memref<1x80xi32, #tpu.memory_space<vmem>>
      %dma_wait3A_216 = tpu.memref_squeeze %dma_wait3A_215 : memref<1x80xi32, #tpu.memory_space<vmem>> -> memref<80xi32, #tpu.memory_space<vmem>>
      %dma_wait3A_217 = arith.constant 0 : i32
      %dma_wait3A_218 = arith.constant 0 : i32
      %dma_wait3A_219 = tpu.memref_slice %arg2[%dma_wait3A_217, %dma_wait3A_218] : memref<10000x128xf32, #tpu.memory_space<hbm>> -> memref<10000x128xf32, #tpu.memory_space<hbm>>
      tpu.wait_indirect_dma semaphore(%arg10 : memref<!tpu.dma_semaphore, #tpu.memory_space<semaphore_mem>>) src(%dma_wait3A_219 : memref<10000x128xf32, #tpu.memory_space<hbm>>) dst(%dma_wait3A_213 : memref<80x128xf32, #tpu.memory_space<vmem>>)
      %add3A_220 = arith.constant 1 : i32
      %add3A_221 = arith.addi %mul3A_175, %add3A_220 : i32
      %run_scoped3A_222 = arith.constant 1 : i32
      "tpu.region"() ({
        %run_scoped3A_270 = tpu.sem_alloc : memref<!tpu.dma_semaphore, #tpu.memory_space<semaphore_mem>>
        %dma_start3A_271 = arith.constant 0 : i32
        %dma_start3A_272 = arith.constant 0 : i32
        %dma_start3A_273 = tpu.memref_slice %arg7[%run_scoped3A_222, %dma_start3A_271, %dma_start3A_272] : memref<3x80x128xf32, #tpu.memory_space<vmem>> -> memref<1x80x128xf32, #tpu.memory_space<vmem>>
        %dma_start3A_274 = tpu.memref_squeeze %dma_start3A_273 : memref<1x80x128xf32, #tpu.memory_space<vmem>> -> memref<80x128xf32, #tpu.memory_space<vmem>>
        %dma_start3A_275 = arith.constant 0 : i32
        %dma_start3A_276 = tpu.memref_slice %arg6[%add3A_221, %dma_start3A_275] : memref<125x80xi32, #tpu.memory_space<vmem>> -> memref<1x80xi32, #tpu.memory_space<vmem>>
        %dma_start3A_277 = tpu.memref_squeeze %dma_start3A_276 : memref<1x80xi32, #tpu.memory_space<vmem>> -> memref<80xi32, #tpu.memory_space<vmem>>
        %dma_start3A_278 = arith.constant 0 : i32
        %dma_start3A_279 = arith.constant 0 : i32
        %dma_start3A_280 = tpu.memref_slice %arg8[%dma_start3A_278, %dma_start3A_279] : memref<10000x128xf32, #tpu.memory_space<vmem_shared>> -> memref<10000x128xf32, #tpu.memory_space<vmem_shared>>
        tpu.enqueue_indirect_dma source(%dma_start3A_274 : memref<80x128xf32, #tpu.memory_space<vmem>>) target(%dma_start3A_280 : memref<10000x128xf32, #tpu.memory_space<vmem_shared>>) offsets(%dma_start3A_277 : memref<80xi32, #tpu.memory_space<vmem>>) semaphore(%run_scoped3A_270 : memref<!tpu.dma_semaphore, #tpu.memory_space<semaphore_mem>>) {add = true}
        %dma_wait3A_281 = arith.constant 0 : i32
        %dma_wait3A_282 = arith.constant 0 : i32
        %dma_wait3A_283 = tpu.memref_slice %arg7[%run_scoped3A_222, %dma_wait3A_281, %dma_wait3A_282] : memref<3x80x128xf32, #tpu.memory_space<vmem>> -> memref<1x80x128xf32, #tpu.memory_space<vmem>>
        %dma_wait3A_284 = tpu.memref_squeeze %dma_wait3A_283 : memref<1x80x128xf32, #tpu.memory_space<vmem>> -> memref<80x128xf32, #tpu.memory_space<vmem>>
        %dma_wait3A_285 = arith.constant 0 : i32
        %dma_wait3A_286 = tpu.memref_slice %arg6[%add3A_221, %dma_wait3A_285] : memref<125x80xi32, #tpu.memory_space<vmem>> -> memref<1x80xi32, #tpu.memory_space<vmem>>
        %dma_wait3A_287 = tpu.memref_squeeze %dma_wait3A_286 : memref<1x80xi32, #tpu.memory_space<vmem>> -> memref<80xi32, #tpu.memory_space<vmem>>
        %dma_wait3A_288 = arith.constant 0 : i32
        %dma_wait3A_289 = arith.constant 0 : i32
        %dma_wait3A_290 = tpu.memref_slice %arg8[%dma_wait3A_288, %dma_wait3A_289] : memref<10000x128xf32, #tpu.memory_space<vmem_shared>> -> memref<10000x128xf32, #tpu.memory_space<vmem_shared>>
        tpu.wait_indirect_dma semaphore(%run_scoped3A_270 : memref<!tpu.dma_semaphore, #tpu.memory_space<semaphore_mem>>) src(%dma_wait3A_284 : memref<80x128xf32, #tpu.memory_space<vmem>>) dst(%dma_wait3A_290 : memref<10000x128xf32, #tpu.memory_space<vmem_shared>>)
        tpu.yield
      }) : () -> ()
      %add3A_223 = arith.constant 1 : i32
      %add3A_224 = arith.addi %mul3A_175, %add3A_223 : i32
      %add3A_225 = arith.constant 3 : i32
      %add3A_226 = arith.addi %add3A_224, %add3A_225 : i32
      %dma_start3A_227 = arith.constant 1 : i32
      %dma_start3A_228 = arith.constant 0 : i32
      %dma_start3A_229 = arith.constant 0 : i32
      %dma_start3A_230 = tpu.memref_slice %arg7[%dma_start3A_227, %dma_start3A_228, %dma_start3A_229] : memref<3x80x128xf32, #tpu.memory_space<vmem>> -> memref<1x80x128xf32, #tpu.memory_space<vmem>>
      %dma_start3A_231 = tpu.memref_squeeze %dma_start3A_230 : memref<1x80x128xf32, #tpu.memory_space<vmem>> -> memref<80x128xf32, #tpu.memory_space<vmem>>
      %dma_start3A_232 = arith.constant 0 : i32
      %dma_start3A_233 = tpu.memref_slice %arg5[%add3A_226, %dma_start3A_232] : memref<125x80xi32, #tpu.memory_space<vmem>> -> memref<1x80xi32, #tpu.memory_space<vmem>>
      %dma_start3A_234 = tpu.memref_squeeze %dma_start3A_233 : memref<1x80xi32, #tpu.memory_space<vmem>> -> memref<80xi32, #tpu.memory_space<vmem>>
      %dma_start3A_235 = arith.constant 0 : i32
      %dma_start3A_236 = arith.constant 0 : i32
      %dma_start3A_237 = tpu.memref_slice %arg2[%dma_start3A_235, %dma_start3A_236] : memref<10000x128xf32, #tpu.memory_space<hbm>> -> memref<10000x128xf32, #tpu.memory_space<hbm>>
      tpu.enqueue_indirect_dma source(%dma_start3A_237 : memref<10000x128xf32, #tpu.memory_space<hbm>>) target(%dma_start3A_231 : memref<80x128xf32, #tpu.memory_space<vmem>>) offsets(%dma_start3A_234 : memref<80xi32, #tpu.memory_space<vmem>>) semaphore(%arg10 : memref<!tpu.dma_semaphore, #tpu.memory_space<semaphore_mem>>)
      %add3A_238 = arith.constant 2 : i32
      %add3A_239 = arith.addi %mul3A_175, %add3A_238 : i32
      %dma_wait3A_240 = arith.constant 2 : i32
      %dma_wait3A_241 = arith.constant 0 : i32
      %dma_wait3A_242 = arith.constant 0 : i32
      %dma_wait3A_243 = tpu.memref_slice %arg7[%dma_wait3A_240, %dma_wait3A_241, %dma_wait3A_242] : memref<3x80x128xf32, #tpu.memory_space<vmem>> -> memref<1x80x128xf32, #tpu.memory_space<vmem>>
      %dma_wait3A_244 = tpu.memref_squeeze %dma_wait3A_243 : memref<1x80x128xf32, #tpu.memory_space<vmem>> -> memref<80x128xf32, #tpu.memory_space<vmem>>
      %dma_wait3A_245 = arith.constant 0 : i32
      %dma_wait3A_246 = tpu.memref_slice %arg5[%add3A_239, %dma_wait3A_245] : memref<125x80xi32, #tpu.memory_space<vmem>> -> memref<1x80xi32, #tpu.memory_space<vmem>>
      %dma_wait3A_247 = tpu.memref_squeeze %dma_wait3A_246 : memref<1x80xi32, #tpu.memory_space<vmem>> -> memref<80xi32, #tpu.memory_space<vmem>>
      %dma_wait3A_248 = arith.constant 0 : i32
      %dma_wait3A_249 = arith.constant 0 : i32
      %dma_wait3A_250 = tpu.memref_slice %arg2[%dma_wait3A_248, %dma_wait3A_249] : memref<10000x128xf32, #tpu.memory_space<hbm>> -> memref<10000x128xf32, #tpu.memory_space<hbm>>
      tpu.wait_indirect_dma semaphore(%arg11 : memref<!tpu.dma_semaphore, #tpu.memory_space<semaphore_mem>>) src(%dma_wait3A_250 : memref<10000x128xf32, #tpu.memory_space<hbm>>) dst(%dma_wait3A_244 : memref<80x128xf32, #tpu.memory_space<vmem>>)
      %add3A_251 = arith.constant 2 : i32
      %add3A_252 = arith.addi %mul3A_175, %add3A_251 : i32
      %run_scoped3A_253 = arith.constant 2 : i32
      "tpu.region"() ({
        %run_scoped3A_270 = tpu.sem_alloc : memref<!tpu.dma_semaphore, #tpu.memory_space<semaphore_mem>>
        %dma_start3A_271 = arith.constant 0 : i32
        %dma_start3A_272 = arith.constant 0 : i32
        %dma_start3A_273 = tpu.memref_slice %arg7[%run_scoped3A_253, %dma_start3A_271, %dma_start3A_272] : memref<3x80x128xf32, #tpu.memory_space<vmem>> -> memref<1x80x128xf32, #tpu.memory_space<vmem>>
        %dma_start3A_274 = tpu.memref_squeeze %dma_start3A_273 : memref<1x80x128xf32, #tpu.memory_space<vmem>> -> memref<80x128xf32, #tpu.memory_space<vmem>>
        %dma_start3A_275 = arith.constant 0 : i32
        %dma_start3A_276 = tpu.memref_slice %arg6[%add3A_252, %dma_start3A_275] : memref<125x80xi32, #tpu.memory_space<vmem>> -> memref<1x80xi32, #tpu.memory_space<vmem>>
        %dma_start3A_277 = tpu.memref_squeeze %dma_start3A_276 : memref<1x80xi32, #tpu.memory_space<vmem>> -> memref<80xi32, #tpu.memory_space<vmem>>
        %dma_start3A_278 = arith.constant 0 : i32
        %dma_start3A_279 = arith.constant 0 : i32
        %dma_start3A_280 = tpu.memref_slice %arg8[%dma_start3A_278, %dma_start3A_279] : memref<10000x128xf32, #tpu.memory_space<vmem_shared>> -> memref<10000x128xf32, #tpu.memory_space<vmem_shared>>
        tpu.enqueue_indirect_dma source(%dma_start3A_274 : memref<80x128xf32, #tpu.memory_space<vmem>>) target(%dma_start3A_280 : memref<10000x128xf32, #tpu.memory_space<vmem_shared>>) offsets(%dma_start3A_277 : memref<80xi32, #tpu.memory_space<vmem>>) semaphore(%run_scoped3A_270 : memref<!tpu.dma_semaphore, #tpu.memory_space<semaphore_mem>>) {add = true}
        %dma_wait3A_281 = arith.constant 0 : i32
        %dma_wait3A_282 = arith.constant 0 : i32
        %dma_wait3A_283 = tpu.memref_slice %arg7[%run_scoped3A_253, %dma_wait3A_281, %dma_wait3A_282] : memref<3x80x128xf32, #tpu.memory_space<vmem>> -> memref<1x80x128xf32, #tpu.memory_space<vmem>>
        %dma_wait3A_284 = tpu.memref_squeeze %dma_wait3A_283 : memref<1x80x128xf32, #tpu.memory_space<vmem>> -> memref<80x128xf32, #tpu.memory_space<vmem>>
        %dma_wait3A_285 = arith.constant 0 : i32
        %dma_wait3A_286 = tpu.memref_slice %arg6[%add3A_252, %dma_wait3A_285] : memref<125x80xi32, #tpu.memory_space<vmem>> -> memref<1x80xi32, #tpu.memory_space<vmem>>
        %dma_wait3A_287 = tpu.memref_squeeze %dma_wait3A_286 : memref<1x80xi32, #tpu.memory_space<vmem>> -> memref<80xi32, #tpu.memory_space<vmem>>
        %dma_wait3A_288 = arith.constant 0 : i32
        %dma_wait3A_289 = arith.constant 0 : i32
        %dma_wait3A_290 = tpu.memref_slice %arg8[%dma_wait3A_288, %dma_wait3A_289] : memref<10000x128xf32, #tpu.memory_space<vmem_shared>> -> memref<10000x128xf32, #tpu.memory_space<vmem_shared>>
        tpu.wait_indirect_dma semaphore(%run_scoped3A_270 : memref<!tpu.dma_semaphore, #tpu.memory_space<semaphore_mem>>) src(%dma_wait3A_284 : memref<80x128xf32, #tpu.memory_space<vmem>>) dst(%dma_wait3A_290 : memref<10000x128xf32, #tpu.memory_space<vmem_shared>>)
        tpu.yield
      }) : () -> ()
      %add3A_254 = arith.constant 2 : i32
      %add3A_255 = arith.addi %mul3A_175, %add3A_254 : i32
      %add3A_256 = arith.constant 3 : i32
      %add3A_257 = arith.addi %add3A_255, %add3A_256 : i32
      %dma_start3A_258 = arith.constant 2 : i32
      %dma_start3A_259 = arith.constant 0 : i32
      %dma_start3A_260 = arith.constant 0 : i32
      %dma_start3A_261 = tpu.memref_slice %arg7[%dma_start3A_258, %dma_start3A_259, %dma_start3A_260] : memref<3x80x128xf32, #tpu.memory_space<vmem>> -> memref<1x80x128xf32, #tpu.memory_space<vmem>>
      %dma_start3A_262 = tpu.memref_squeeze %dma_start3A_261 : memref<1x80x128xf32, #tpu.memory_space<vmem>> -> memref<80x128xf32, #tpu.memory_space<vmem>>
      %dma_start3A_263 = arith.constant 0 : i32
      %dma_start3A_264 = tpu.memref_slice %arg5[%add3A_257, %dma_start3A_263] : memref<125x80xi32, #tpu.memory_space<vmem>> -> memref<1x80xi32, #tpu.memory_space<vmem>>
      %dma_start3A_265 = tpu.memref_squeeze %dma_start3A_264 : memref<1x80xi32, #tpu.memory_space<vmem>> -> memref<80xi32, #tpu.memory_space<vmem>>
      %dma_start3A_266 = arith.constant 0 : i32
      %dma_start3A_267 = arith.constant 0 : i32
      %dma_start3A_268 = tpu.memref_slice %arg2[%dma_start3A_266, %dma_start3A_267] : memref<10000x128xf32, #tpu.memory_space<hbm>> -> memref<10000x128xf32, #tpu.memory_space<hbm>>
      tpu.enqueue_indirect_dma source(%dma_start3A_268 : memref<10000x128xf32, #tpu.memory_space<hbm>>) target(%dma_start3A_262 : memref<80x128xf32, #tpu.memory_space<vmem>>) offsets(%dma_start3A_265 : memref<80xi32, #tpu.memory_space<vmem>>) semaphore(%arg11 : memref<!tpu.dma_semaphore, #tpu.memory_space<semaphore_mem>>)
      %scan3A_269 = arith.constant 0 : i32
      scf.yield %scan3A_269 : i32
    }
    %scan3A_77 = arith.constant 40 : i32
    %dma_wait3A = arith.constant 120 : i32
    %dma_wait3A_78 = arith.constant 0 : i32
    %dma_wait3A_79 = arith.constant 0 : i32
    %dma_wait3A_80 = arith.constant 0 : i32
    %dma_wait3A_81 = tpu.memref_slice %arg7[%dma_wait3A_78, %dma_wait3A_79, %dma_wait3A_80] : memref<3x80x128xf32, #tpu.memory_space<vmem>> -> memref<1x80x128xf32, #tpu.memory_space<vmem>>
    %dma_wait3A_82 = tpu.memref_squeeze %dma_wait3A_81 : memref<1x80x128xf32, #tpu.memory_space<vmem>> -> memref<80x128xf32, #tpu.memory_space<vmem>>
    %dma_wait3A_83 = arith.constant 0 : i32
    %dma_wait3A_84 = tpu.memref_slice %arg5[%dma_wait3A, %dma_wait3A_83] : memref<125x80xi32, #tpu.memory_space<vmem>> -> memref<1x80xi32, #tpu.memory_space<vmem>>
    %dma_wait3A_85 = tpu.memref_squeeze %dma_wait3A_84 : memref<1x80xi32, #tpu.memory_space<vmem>> -> memref<80xi32, #tpu.memory_space<vmem>>
    %dma_wait3A_86 = arith.constant 0 : i32
    %dma_wait3A_87 = arith.constant 0 : i32
    %dma_wait3A_88 = tpu.memref_slice %arg2[%dma_wait3A_86, %dma_wait3A_87] : memref<10000x128xf32, #tpu.memory_space<hbm>> -> memref<10000x128xf32, #tpu.memory_space<hbm>>
    tpu.wait_indirect_dma semaphore(%arg9 : memref<!tpu.dma_semaphore, #tpu.memory_space<semaphore_mem>>) src(%dma_wait3A_88 : memref<10000x128xf32, #tpu.memory_space<hbm>>) dst(%dma_wait3A_82 : memref<80x128xf32, #tpu.memory_space<vmem>>)
    %run_scoped3A_89 = arith.constant 0 : i32
    %run_scoped3A_90 = arith.constant 120 : i32
    "tpu.region"() ({
      %run_scoped3A_172 = tpu.sem_alloc : memref<!tpu.dma_semaphore, #tpu.memory_space<semaphore_mem>>
      %dma_start3A_173 = arith.constant 0 : i32
      %dma_start3A_174 = arith.constant 0 : i32
      %dma_start3A_175 = tpu.memref_slice %arg7[%run_scoped3A_89, %dma_start3A_173, %dma_start3A_174] : memref<3x80x128xf32, #tpu.memory_space<vmem>> -> memref<1x80x128xf32, #tpu.memory_space<vmem>>
      %dma_start3A_176 = tpu.memref_squeeze %dma_start3A_175 : memref<1x80x128xf32, #tpu.memory_space<vmem>> -> memref<80x128xf32, #tpu.memory_space<vmem>>
      %dma_start3A_177 = arith.constant 0 : i32
      %dma_start3A_178 = tpu.memref_slice %arg6[%run_scoped3A_90, %dma_start3A_177] : memref<125x80xi32, #tpu.memory_space<vmem>> -> memref<1x80xi32, #tpu.memory_space<vmem>>
      %dma_start3A_179 = tpu.memref_squeeze %dma_start3A_178 : memref<1x80xi32, #tpu.memory_space<vmem>> -> memref<80xi32, #tpu.memory_space<vmem>>
      %dma_start3A_180 = arith.constant 0 : i32
      %dma_start3A_181 = arith.constant 0 : i32
      %dma_start3A_182 = tpu.memref_slice %arg8[%dma_start3A_180, %dma_start3A_181] : memref<10000x128xf32, #tpu.memory_space<vmem_shared>> -> memref<10000x128xf32, #tpu.memory_space<vmem_shared>>
      tpu.enqueue_indirect_dma source(%dma_start3A_176 : memref<80x128xf32, #tpu.memory_space<vmem>>) target(%dma_start3A_182 : memref<10000x128xf32, #tpu.memory_space<vmem_shared>>) offsets(%dma_start3A_179 : memref<80xi32, #tpu.memory_space<vmem>>) semaphore(%run_scoped3A_172 : memref<!tpu.dma_semaphore, #tpu.memory_space<semaphore_mem>>) {add = true}
      %dma_wait3A_183 = arith.constant 0 : i32
      %dma_wait3A_184 = arith.constant 0 : i32
      %dma_wait3A_185 = tpu.memref_slice %arg7[%run_scoped3A_89, %dma_wait3A_183, %dma_wait3A_184] : memref<3x80x128xf32, #tpu.memory_space<vmem>> -> memref<1x80x128xf32, #tpu.memory_space<vmem>>
      %dma_wait3A_186 = tpu.memref_squeeze %dma_wait3A_185 : memref<1x80x128xf32, #tpu.memory_space<vmem>> -> memref<80x128xf32, #tpu.memory_space<vmem>>
      %dma_wait3A_187 = arith.constant 0 : i32
      %dma_wait3A_188 = tpu.memref_slice %arg6[%run_scoped3A_90, %dma_wait3A_187] : memref<125x80xi32, #tpu.memory_space<vmem>> -> memref<1x80xi32, #tpu.memory_space<vmem>>
      %dma_wait3A_189 = tpu.memref_squeeze %dma_wait3A_188 : memref<1x80xi32, #tpu.memory_space<vmem>> -> memref<80xi32, #tpu.memory_space<vmem>>
      %dma_wait3A_190 = arith.constant 0 : i32
      %dma_wait3A_191 = arith.constant 0 : i32
      %dma_wait3A_192 = tpu.memref_slice %arg8[%dma_wait3A_190, %dma_wait3A_191] : memref<10000x128xf32, #tpu.memory_space<vmem_shared>> -> memref<10000x128xf32, #tpu.memory_space<vmem_shared>>
      tpu.wait_indirect_dma semaphore(%run_scoped3A_172 : memref<!tpu.dma_semaphore, #tpu.memory_space<semaphore_mem>>) src(%dma_wait3A_186 : memref<80x128xf32, #tpu.memory_space<vmem>>) dst(%dma_wait3A_192 : memref<10000x128xf32, #tpu.memory_space<vmem_shared>>)
      tpu.yield
    }) : () -> ()
    %dma_wait3A_91 = arith.constant 121 : i32
    %dma_wait3A_92 = arith.constant 1 : i32
    %dma_wait3A_93 = arith.constant 0 : i32
    %dma_wait3A_94 = arith.constant 0 : i32
    %dma_wait3A_95 = tpu.memref_slice %arg7[%dma_wait3A_92, %dma_wait3A_93, %dma_wait3A_94] : memref<3x80x128xf32, #tpu.memory_space<vmem>> -> memref<1x80x128xf32, #tpu.memory_space<vmem>>
    %dma_wait3A_96 = tpu.memref_squeeze %dma_wait3A_95 : memref<1x80x128xf32, #tpu.memory_space<vmem>> -> memref<80x128xf32, #tpu.memory_space<vmem>>
    %dma_wait3A_97 = arith.constant 0 : i32
    %dma_wait3A_98 = tpu.memref_slice %arg5[%dma_wait3A_91, %dma_wait3A_97] : memref<125x80xi32, #tpu.memory_space<vmem>> -> memref<1x80xi32, #tpu.memory_space<vmem>>
    %dma_wait3A_99 = tpu.memref_squeeze %dma_wait3A_98 : memref<1x80xi32, #tpu.memory_space<vmem>> -> memref<80xi32, #tpu.memory_space<vmem>>
    %dma_wait3A_100 = arith.constant 0 : i32
    %dma_wait3A_101 = arith.constant 0 : i32
    %dma_wait3A_102 = tpu.memref_slice %arg2[%dma_wait3A_100, %dma_wait3A_101] : memref<10000x128xf32, #tpu.memory_space<hbm>> -> memref<10000x128xf32, #tpu.memory_space<hbm>>
    tpu.wait_indirect_dma semaphore(%arg10 : memref<!tpu.dma_semaphore, #tpu.memory_space<semaphore_mem>>) src(%dma_wait3A_102 : memref<10000x128xf32, #tpu.memory_space<hbm>>) dst(%dma_wait3A_96 : memref<80x128xf32, #tpu.memory_space<vmem>>)
    %run_scoped3A_103 = arith.constant 1 : i32
    %run_scoped3A_104 = arith.constant 121 : i32
    "tpu.region"() ({
      %run_scoped3A_172 = tpu.sem_alloc : memref<!tpu.dma_semaphore, #tpu.memory_space<semaphore_mem>>
      %dma_start3A_173 = arith.constant 0 : i32
      %dma_start3A_174 = arith.constant 0 : i32
      %dma_start3A_175 = tpu.memref_slice %arg7[%run_scoped3A_103, %dma_start3A_173, %dma_start3A_174] : memref<3x80x128xf32, #tpu.memory_space<vmem>> -> memref<1x80x128xf32, #tpu.memory_space<vmem>>
      %dma_start3A_176 = tpu.memref_squeeze %dma_start3A_175 : memref<1x80x128xf32, #tpu.memory_space<vmem>> -> memref<80x128xf32, #tpu.memory_space<vmem>>
      %dma_start3A_177 = arith.constant 0 : i32
      %dma_start3A_178 = tpu.memref_slice %arg6[%run_scoped3A_104, %dma_start3A_177] : memref<125x80xi32, #tpu.memory_space<vmem>> -> memref<1x80xi32, #tpu.memory_space<vmem>>
      %dma_start3A_179 = tpu.memref_squeeze %dma_start3A_178 : memref<1x80xi32, #tpu.memory_space<vmem>> -> memref<80xi32, #tpu.memory_space<vmem>>
      %dma_start3A_180 = arith.constant 0 : i32
      %dma_start3A_181 = arith.constant 0 : i32
      %dma_start3A_182 = tpu.memref_slice %arg8[%dma_start3A_180, %dma_start3A_181] : memref<10000x128xf32, #tpu.memory_space<vmem_shared>> -> memref<10000x128xf32, #tpu.memory_space<vmem_shared>>
      tpu.enqueue_indirect_dma source(%dma_start3A_176 : memref<80x128xf32, #tpu.memory_space<vmem>>) target(%dma_start3A_182 : memref<10000x128xf32, #tpu.memory_space<vmem_shared>>) offsets(%dma_start3A_179 : memref<80xi32, #tpu.memory_space<vmem>>) semaphore(%run_scoped3A_172 : memref<!tpu.dma_semaphore, #tpu.memory_space<semaphore_mem>>) {add = true}
      %dma_wait3A_183 = arith.constant 0 : i32
      %dma_wait3A_184 = arith.constant 0 : i32
      %dma_wait3A_185 = tpu.memref_slice %arg7[%run_scoped3A_103, %dma_wait3A_183, %dma_wait3A_184] : memref<3x80x128xf32, #tpu.memory_space<vmem>> -> memref<1x80x128xf32, #tpu.memory_space<vmem>>
      %dma_wait3A_186 = tpu.memref_squeeze %dma_wait3A_185 : memref<1x80x128xf32, #tpu.memory_space<vmem>> -> memref<80x128xf32, #tpu.memory_space<vmem>>
      %dma_wait3A_187 = arith.constant 0 : i32
      %dma_wait3A_188 = tpu.memref_slice %arg6[%run_scoped3A_104, %dma_wait3A_187] : memref<125x80xi32, #tpu.memory_space<vmem>> -> memref<1x80xi32, #tpu.memory_space<vmem>>
      %dma_wait3A_189 = tpu.memref_squeeze %dma_wait3A_188 : memref<1x80xi32, #tpu.memory_space<vmem>> -> memref<80xi32, #tpu.memory_space<vmem>>
      %dma_wait3A_190 = arith.constant 0 : i32
      %dma_wait3A_191 = arith.constant 0 : i32
      %dma_wait3A_192 = tpu.memref_slice %arg8[%dma_wait3A_190, %dma_wait3A_191] : memref<10000x128xf32, #tpu.memory_space<vmem_shared>> -> memref<10000x128xf32, #tpu.memory_space<vmem_shared>>
      tpu.wait_indirect_dma semaphore(%run_scoped3A_172 : memref<!tpu.dma_semaphore, #tpu.memory_space<semaphore_mem>>) src(%dma_wait3A_186 : memref<80x128xf32, #tpu.memory_space<vmem>>) dst(%dma_wait3A_192 : memref<10000x128xf32, #tpu.memory_space<vmem_shared>>)
      tpu.yield
    }) : () -> ()
    %dma_wait3A_105 = arith.constant 122 : i32
    %dma_wait3A_106 = arith.constant 2 : i32
    %dma_wait3A_107 = arith.constant 0 : i32
    %dma_wait3A_108 = arith.constant 0 : i32
    %dma_wait3A_109 = tpu.memref_slice %arg7[%dma_wait3A_106, %dma_wait3A_107, %dma_wait3A_108] : memref<3x80x128xf32, #tpu.memory_space<vmem>> -> memref<1x80x128xf32, #tpu.memory_space<vmem>>
    %dma_wait3A_110 = tpu.memref_squeeze %dma_wait3A_109 : memref<1x80x128xf32, #tpu.memory_space<vmem>> -> memref<80x128xf32, #tpu.memory_space<vmem>>
    %dma_wait3A_111 = arith.constant 0 : i32
    %dma_wait3A_112 = tpu.memref_slice %arg5[%dma_wait3A_105, %dma_wait3A_111] : memref<125x80xi32, #tpu.memory_space<vmem>> -> memref<1x80xi32, #tpu.memory_space<vmem>>
    %dma_wait3A_113 = tpu.memref_squeeze %dma_wait3A_112 : memref<1x80xi32, #tpu.memory_space<vmem>> -> memref<80xi32, #tpu.memory_space<vmem>>
    %dma_wait3A_114 = arith.constant 0 : i32
    %dma_wait3A_115 = arith.constant 0 : i32
    %dma_wait3A_116 = tpu.memref_slice %arg2[%dma_wait3A_114, %dma_wait3A_115] : memref<10000x128xf32, #tpu.memory_space<hbm>> -> memref<10000x128xf32, #tpu.memory_space<hbm>>
    tpu.wait_indirect_dma semaphore(%arg11 : memref<!tpu.dma_semaphore, #tpu.memory_space<semaphore_mem>>) src(%dma_wait3A_116 : memref<10000x128xf32, #tpu.memory_space<hbm>>) dst(%dma_wait3A_110 : memref<80x128xf32, #tpu.memory_space<vmem>>)
    %run_scoped3A_117 = arith.constant 2 : i32
    %run_scoped3A_118 = arith.constant 122 : i32
    "tpu.region"() ({
      %run_scoped3A_172 = tpu.sem_alloc : memref<!tpu.dma_semaphore, #tpu.memory_space<semaphore_mem>>
      %dma_start3A_173 = arith.constant 0 : i32
      %dma_start3A_174 = arith.constant 0 : i32
      %dma_start3A_175 = tpu.memref_slice %arg7[%run_scoped3A_117, %dma_start3A_173, %dma_start3A_174] : memref<3x80x128xf32, #tpu.memory_space<vmem>> -> memref<1x80x128xf32, #tpu.memory_space<vmem>>
      %dma_start3A_176 = tpu.memref_squeeze %dma_start3A_175 : memref<1x80x128xf32, #tpu.memory_space<vmem>> -> memref<80x128xf32, #tpu.memory_space<vmem>>
      %dma_start3A_177 = arith.constant 0 : i32
      %dma_start3A_178 = tpu.memref_slice %arg6[%run_scoped3A_118, %dma_start3A_177] : memref<125x80xi32, #tpu.memory_space<vmem>> -> memref<1x80xi32, #tpu.memory_space<vmem>>
      %dma_start3A_179 = tpu.memref_squeeze %dma_start3A_178 : memref<1x80xi32, #tpu.memory_space<vmem>> -> memref<80xi32, #tpu.memory_space<vmem>>
      %dma_start3A_180 = arith.constant 0 : i32
      %dma_start3A_181 = arith.constant 0 : i32
      %dma_start3A_182 = tpu.memref_slice %arg8[%dma_start3A_180, %dma_start3A_181] : memref<10000x128xf32, #tpu.memory_space<vmem_shared>> -> memref<10000x128xf32, #tpu.memory_space<vmem_shared>>
      tpu.enqueue_indirect_dma source(%dma_start3A_176 : memref<80x128xf32, #tpu.memory_space<vmem>>) target(%dma_start3A_182 : memref<10000x128xf32, #tpu.memory_space<vmem_shared>>) offsets(%dma_start3A_179 : memref<80xi32, #tpu.memory_space<vmem>>) semaphore(%run_scoped3A_172 : memref<!tpu.dma_semaphore, #tpu.memory_space<semaphore_mem>>) {add = true}
      %dma_wait3A_183 = arith.constant 0 : i32
      %dma_wait3A_184 = arith.constant 0 : i32
      %dma_wait3A_185 = tpu.memref_slice %arg7[%run_scoped3A_117, %dma_wait3A_183, %dma_wait3A_184] : memref<3x80x128xf32, #tpu.memory_space<vmem>> -> memref<1x80x128xf32, #tpu.memory_space<vmem>>
      %dma_wait3A_186 = tpu.memref_squeeze %dma_wait3A_185 : memref<1x80x128xf32, #tpu.memory_space<vmem>> -> memref<80x128xf32, #tpu.memory_space<vmem>>
      %dma_wait3A_187 = arith.constant 0 : i32
      %dma_wait3A_188 = tpu.memref_slice %arg6[%run_scoped3A_118, %dma_wait3A_187] : memref<125x80xi32, #tpu.memory_space<vmem>> -> memref<1x80xi32, #tpu.memory_space<vmem>>
      %dma_wait3A_189 = tpu.memref_squeeze %dma_wait3A_188 : memref<1x80xi32, #tpu.memory_space<vmem>> -> memref<80xi32, #tpu.memory_space<vmem>>
      %dma_wait3A_190 = arith.constant 0 : i32
      %dma_wait3A_191 = arith.constant 0 : i32
      %dma_wait3A_192 = tpu.memref_slice %arg8[%dma_wait3A_190, %dma_wait3A_191] : memref<10000x128xf32, #tpu.memory_space<vmem_shared>> -> memref<10000x128xf32, #tpu.memory_space<vmem_shared>>
      tpu.wait_indirect_dma semaphore(%run_scoped3A_172 : memref<!tpu.dma_semaphore, #tpu.memory_space<semaphore_mem>>) src(%dma_wait3A_186 : memref<80x128xf32, #tpu.memory_space<vmem>>) dst(%dma_wait3A_192 : memref<10000x128xf32, #tpu.memory_space<vmem_shared>>)
      tpu.yield
    }) : () -> ()
    %dma_start3A_119 = arith.constant 123 : i32
    %dma_start3A_120 = arith.constant 0 : i32
    %dma_start3A_121 = arith.constant 0 : i32
    %dma_start3A_122 = arith.constant 0 : i32
    %dma_start3A_123 = tpu.memref_slice %arg7[%dma_start3A_120, %dma_start3A_121, %dma_start3A_122] : memref<3x80x128xf32, #tpu.memory_space<vmem>> -> memref<1x80x128xf32, #tpu.memory_space<vmem>>
    %dma_start3A_124 = tpu.memref_squeeze %dma_start3A_123 : memref<1x80x128xf32, #tpu.memory_space<vmem>> -> memref<80x128xf32, #tpu.memory_space<vmem>>
    %dma_start3A_125 = arith.constant 0 : i32
    %dma_start3A_126 = tpu.memref_slice %arg5[%dma_start3A_119, %dma_start3A_125] : memref<125x80xi32, #tpu.memory_space<vmem>> -> memref<1x80xi32, #tpu.memory_space<vmem>>
    %dma_start3A_127 = tpu.memref_squeeze %dma_start3A_126 : memref<1x80xi32, #tpu.memory_space<vmem>> -> memref<80xi32, #tpu.memory_space<vmem>>
    %dma_start3A_128 = arith.constant 0 : i32
    %dma_start3A_129 = arith.constant 0 : i32
    %dma_start3A_130 = tpu.memref_slice %arg2[%dma_start3A_128, %dma_start3A_129] : memref<10000x128xf32, #tpu.memory_space<hbm>> -> memref<10000x128xf32, #tpu.memory_space<hbm>>
    tpu.enqueue_indirect_dma source(%dma_start3A_130 : memref<10000x128xf32, #tpu.memory_space<hbm>>) target(%dma_start3A_124 : memref<80x128xf32, #tpu.memory_space<vmem>>) offsets(%dma_start3A_127 : memref<80xi32, #tpu.memory_space<vmem>>) semaphore(%arg9 : memref<!tpu.dma_semaphore, #tpu.memory_space<semaphore_mem>>)
    %dma_start3A_131 = arith.constant 124 : i32
    %dma_start3A_132 = arith.constant 1 : i32
    %dma_start3A_133 = arith.constant 0 : i32
    %dma_start3A_134 = arith.constant 0 : i32
    %dma_start3A_135 = tpu.memref_slice %arg7[%dma_start3A_132, %dma_start3A_133, %dma_start3A_134] : memref<3x80x128xf32, #tpu.memory_space<vmem>> -> memref<1x80x128xf32, #tpu.memory_space<vmem>>
    %dma_start3A_136 = tpu.memref_squeeze %dma_start3A_135 : memref<1x80x128xf32, #tpu.memory_space<vmem>> -> memref<80x128xf32, #tpu.memory_space<vmem>>
    %dma_start3A_137 = arith.constant 0 : i32
    %dma_start3A_138 = tpu.memref_slice %arg5[%dma_start3A_131, %dma_start3A_137] : memref<125x80xi32, #tpu.memory_space<vmem>> -> memref<1x80xi32, #tpu.memory_space<vmem>>
    %dma_start3A_139 = tpu.memref_squeeze %dma_start3A_138 : memref<1x80xi32, #tpu.memory_space<vmem>> -> memref<80xi32, #tpu.memory_space<vmem>>
    %dma_start3A_140 = arith.constant 0 : i32
    %dma_start3A_141 = arith.constant 0 : i32
    %dma_start3A_142 = tpu.memref_slice %arg2[%dma_start3A_140, %dma_start3A_141] : memref<10000x128xf32, #tpu.memory_space<hbm>> -> memref<10000x128xf32, #tpu.memory_space<hbm>>
    tpu.enqueue_indirect_dma source(%dma_start3A_142 : memref<10000x128xf32, #tpu.memory_space<hbm>>) target(%dma_start3A_136 : memref<80x128xf32, #tpu.memory_space<vmem>>) offsets(%dma_start3A_139 : memref<80xi32, #tpu.memory_space<vmem>>) semaphore(%arg10 : memref<!tpu.dma_semaphore, #tpu.memory_space<semaphore_mem>>)
    %dma_wait3A_143 = arith.constant 123 : i32
    %dma_wait3A_144 = arith.constant 0 : i32
    %dma_wait3A_145 = arith.constant 0 : i32
    %dma_wait3A_146 = arith.constant 0 : i32
    %dma_wait3A_147 = tpu.memref_slice %arg7[%dma_wait3A_144, %dma_wait3A_145, %dma_wait3A_146] : memref<3x80x128xf32, #tpu.memory_space<vmem>> -> memref<1x80x128xf32, #tpu.memory_space<vmem>>
    %dma_wait3A_148 = tpu.memref_squeeze %dma_wait3A_147 : memref<1x80x128xf32, #tpu.memory_space<vmem>> -> memref<80x128xf32, #tpu.memory_space<vmem>>
    %dma_wait3A_149 = arith.constant 0 : i32
    %dma_wait3A_150 = tpu.memref_slice %arg5[%dma_wait3A_143, %dma_wait3A_149] : memref<125x80xi32, #tpu.memory_space<vmem>> -> memref<1x80xi32, #tpu.memory_space<vmem>>
    %dma_wait3A_151 = tpu.memref_squeeze %dma_wait3A_150 : memref<1x80xi32, #tpu.memory_space<vmem>> -> memref<80xi32, #tpu.memory_space<vmem>>
    %dma_wait3A_152 = arith.constant 0 : i32
    %dma_wait3A_153 = arith.constant 0 : i32
    %dma_wait3A_154 = tpu.memref_slice %arg2[%dma_wait3A_152, %dma_wait3A_153] : memref<10000x128xf32, #tpu.memory_space<hbm>> -> memref<10000x128xf32, #tpu.memory_space<hbm>>
    tpu.wait_indirect_dma semaphore(%arg9 : memref<!tpu.dma_semaphore, #tpu.memory_space<semaphore_mem>>) src(%dma_wait3A_154 : memref<10000x128xf32, #tpu.memory_space<hbm>>) dst(%dma_wait3A_148 : memref<80x128xf32, #tpu.memory_space<vmem>>)
    %run_scoped3A_155 = arith.constant 0 : i32
    %run_scoped3A_156 = arith.constant 123 : i32
    "tpu.region"() ({
      %run_scoped3A_172 = tpu.sem_alloc : memref<!tpu.dma_semaphore, #tpu.memory_space<semaphore_mem>>
      %dma_start3A_173 = arith.constant 0 : i32
      %dma_start3A_174 = arith.constant 0 : i32
      %dma_start3A_175 = tpu.memref_slice %arg7[%run_scoped3A_155, %dma_start3A_173, %dma_start3A_174] : memref<3x80x128xf32, #tpu.memory_space<vmem>> -> memref<1x80x128xf32, #tpu.memory_space<vmem>>
      %dma_start3A_176 = tpu.memref_squeeze %dma_start3A_175 : memref<1x80x128xf32, #tpu.memory_space<vmem>> -> memref<80x128xf32, #tpu.memory_space<vmem>>
      %dma_start3A_177 = arith.constant 0 : i32
      %dma_start3A_178 = tpu.memref_slice %arg6[%run_scoped3A_156, %dma_start3A_177] : memref<125x80xi32, #tpu.memory_space<vmem>> -> memref<1x80xi32, #tpu.memory_space<vmem>>
      %dma_start3A_179 = tpu.memref_squeeze %dma_start3A_178 : memref<1x80xi32, #tpu.memory_space<vmem>> -> memref<80xi32, #tpu.memory_space<vmem>>
      %dma_start3A_180 = arith.constant 0 : i32
      %dma_start3A_181 = arith.constant 0 : i32
      %dma_start3A_182 = tpu.memref_slice %arg8[%dma_start3A_180, %dma_start3A_181] : memref<10000x128xf32, #tpu.memory_space<vmem_shared>> -> memref<10000x128xf32, #tpu.memory_space<vmem_shared>>
      tpu.enqueue_indirect_dma source(%dma_start3A_176 : memref<80x128xf32, #tpu.memory_space<vmem>>) target(%dma_start3A_182 : memref<10000x128xf32, #tpu.memory_space<vmem_shared>>) offsets(%dma_start3A_179 : memref<80xi32, #tpu.memory_space<vmem>>) semaphore(%run_scoped3A_172 : memref<!tpu.dma_semaphore, #tpu.memory_space<semaphore_mem>>) {add = true}
      %dma_wait3A_183 = arith.constant 0 : i32
      %dma_wait3A_184 = arith.constant 0 : i32
      %dma_wait3A_185 = tpu.memref_slice %arg7[%run_scoped3A_155, %dma_wait3A_183, %dma_wait3A_184] : memref<3x80x128xf32, #tpu.memory_space<vmem>> -> memref<1x80x128xf32, #tpu.memory_space<vmem>>
      %dma_wait3A_186 = tpu.memref_squeeze %dma_wait3A_185 : memref<1x80x128xf32, #tpu.memory_space<vmem>> -> memref<80x128xf32, #tpu.memory_space<vmem>>
      %dma_wait3A_187 = arith.constant 0 : i32
      %dma_wait3A_188 = tpu.memref_slice %arg6[%run_scoped3A_156, %dma_wait3A_187] : memref<125x80xi32, #tpu.memory_space<vmem>> -> memref<1x80xi32, #tpu.memory_space<vmem>>
      %dma_wait3A_189 = tpu.memref_squeeze %dma_wait3A_188 : memref<1x80xi32, #tpu.memory_space<vmem>> -> memref<80xi32, #tpu.memory_space<vmem>>
      %dma_wait3A_190 = arith.constant 0 : i32
      %dma_wait3A_191 = arith.constant 0 : i32
      %dma_wait3A_192 = tpu.memref_slice %arg8[%dma_wait3A_190, %dma_wait3A_191] : memref<10000x128xf32, #tpu.memory_space<vmem_shared>> -> memref<10000x128xf32, #tpu.memory_space<vmem_shared>>
      tpu.wait_indirect_dma semaphore(%run_scoped3A_172 : memref<!tpu.dma_semaphore, #tpu.memory_space<semaphore_mem>>) src(%dma_wait3A_186 : memref<80x128xf32, #tpu.memory_space<vmem>>) dst(%dma_wait3A_192 : memref<10000x128xf32, #tpu.memory_space<vmem_shared>>)
      tpu.yield
    }) : () -> ()
    %dma_wait3A_157 = arith.constant 124 : i32
    %dma_wait3A_158 = arith.constant 1 : i32
    %dma_wait3A_159 = arith.constant 0 : i32
    %dma_wait3A_160 = arith.constant 0 : i32
    %dma_wait3A_161 = tpu.memref_slice %arg7[%dma_wait3A_158, %dma_wait3A_159, %dma_wait3A_160] : memref<3x80x128xf32, #tpu.memory_space<vmem>> -> memref<1x80x128xf32, #tpu.memory_space<vmem>>
    %dma_wait3A_162 = tpu.memref_squeeze %dma_wait3A_161 : memref<1x80x128xf32, #tpu.memory_space<vmem>> -> memref<80x128xf32, #tpu.memory_space<vmem>>
    %dma_wait3A_163 = arith.constant 0 : i32
    %dma_wait3A_164 = tpu.memref_slice %arg5[%dma_wait3A_157, %dma_wait3A_163] : memref<125x80xi32, #tpu.memory_space<vmem>> -> memref<1x80xi32, #tpu.memory_space<vmem>>
    %dma_wait3A_165 = tpu.memref_squeeze %dma_wait3A_164 : memref<1x80xi32, #tpu.memory_space<vmem>> -> memref<80xi32, #tpu.memory_space<vmem>>
    %dma_wait3A_166 = arith.constant 0 : i32
    %dma_wait3A_167 = arith.constant 0 : i32
    %dma_wait3A_168 = tpu.memref_slice %arg2[%dma_wait3A_166, %dma_wait3A_167] : memref<10000x128xf32, #tpu.memory_space<hbm>> -> memref<10000x128xf32, #tpu.memory_space<hbm>>
    tpu.wait_indirect_dma semaphore(%arg10 : memref<!tpu.dma_semaphore, #tpu.memory_space<semaphore_mem>>) src(%dma_wait3A_168 : memref<10000x128xf32, #tpu.memory_space<hbm>>) dst(%dma_wait3A_162 : memref<80x128xf32, #tpu.memory_space<vmem>>)
    %run_scoped3A_169 = arith.constant 1 : i32
    %run_scoped3A_170 = arith.constant 124 : i32
    "tpu.region"() ({
      %run_scoped3A_172 = tpu.sem_alloc : memref<!tpu.dma_semaphore, #tpu.memory_space<semaphore_mem>>
      %dma_start3A_173 = arith.constant 0 : i32
      %dma_start3A_174 = arith.constant 0 : i32
      %dma_start3A_175 = tpu.memref_slice %arg7[%run_scoped3A_169, %dma_start3A_173, %dma_start3A_174] : memref<3x80x128xf32, #tpu.memory_space<vmem>> -> memref<1x80x128xf32, #tpu.memory_space<vmem>>
      %dma_start3A_176 = tpu.memref_squeeze %dma_start3A_175 : memref<1x80x128xf32, #tpu.memory_space<vmem>> -> memref<80x128xf32, #tpu.memory_space<vmem>>
      %dma_start3A_177 = arith.constant 0 : i32
      %dma_start3A_178 = tpu.memref_slice %arg6[%run_scoped3A_170, %dma_start3A_177] : memref<125x80xi32, #tpu.memory_space<vmem>> -> memref<1x80xi32, #tpu.memory_space<vmem>>
      %dma_start3A_179 = tpu.memref_squeeze %dma_start3A_178 : memref<1x80xi32, #tpu.memory_space<vmem>> -> memref<80xi32, #tpu.memory_space<vmem>>
      %dma_start3A_180 = arith.constant 0 : i32
      %dma_start3A_181 = arith.constant 0 : i32
      %dma_start3A_182 = tpu.memref_slice %arg8[%dma_start3A_180, %dma_start3A_181] : memref<10000x128xf32, #tpu.memory_space<vmem_shared>> -> memref<10000x128xf32, #tpu.memory_space<vmem_shared>>
      tpu.enqueue_indirect_dma source(%dma_start3A_176 : memref<80x128xf32, #tpu.memory_space<vmem>>) target(%dma_start3A_182 : memref<10000x128xf32, #tpu.memory_space<vmem_shared>>) offsets(%dma_start3A_179 : memref<80xi32, #tpu.memory_space<vmem>>) semaphore(%run_scoped3A_172 : memref<!tpu.dma_semaphore, #tpu.memory_space<semaphore_mem>>) {add = true}
      %dma_wait3A_183 = arith.constant 0 : i32
      %dma_wait3A_184 = arith.constant 0 : i32
      %dma_wait3A_185 = tpu.memref_slice %arg7[%run_scoped3A_169, %dma_wait3A_183, %dma_wait3A_184] : memref<3x80x128xf32, #tpu.memory_space<vmem>> -> memref<1x80x128xf32, #tpu.memory_space<vmem>>
      %dma_wait3A_186 = tpu.memref_squeeze %dma_wait3A_185 : memref<1x80x128xf32, #tpu.memory_space<vmem>> -> memref<80x128xf32, #tpu.memory_space<vmem>>
      %dma_wait3A_187 = arith.constant 0 : i32
      %dma_wait3A_188 = tpu.memref_slice %arg6[%run_scoped3A_170, %dma_wait3A_187] : memref<125x80xi32, #tpu.memory_space<vmem>> -> memref<1x80xi32, #tpu.memory_space<vmem>>
      %dma_wait3A_189 = tpu.memref_squeeze %dma_wait3A_188 : memref<1x80xi32, #tpu.memory_space<vmem>> -> memref<80xi32, #tpu.memory_space<vmem>>
      %dma_wait3A_190 = arith.constant 0 : i32
      %dma_wait3A_191 = arith.constant 0 : i32
      %dma_wait3A_192 = tpu.memref_slice %arg8[%dma_wait3A_190, %dma_wait3A_191] : memref<10000x128xf32, #tpu.memory_space<vmem_shared>> -> memref<10000x128xf32, #tpu.memory_space<vmem_shared>>
      tpu.wait_indirect_dma semaphore(%run_scoped3A_172 : memref<!tpu.dma_semaphore, #tpu.memory_space<semaphore_mem>>) src(%dma_wait3A_186 : memref<80x128xf32, #tpu.memory_space<vmem>>) dst(%dma_wait3A_192 : memref<10000x128xf32, #tpu.memory_space<vmem_shared>>)
      tpu.yield
    }) : () -> ()
    %barrier3A_171 = arith.constant 0 : index
    tpu.barrier barrier_id(%barrier3A_171)
    "tpu.region"() ({
      %run_scoped3A_172 = tpu.sem_alloc : memref<!tpu.dma_semaphore, #tpu.memory_space<semaphore_mem>>
      %dma_start3A_173 = arith.constant 0 : i32
      %dma_start3A_174 = tpu.memref_slice %arg4[%arg0, %mul3A_21, %dma_start3A_173] : memref<2x10000x128xf32, #tpu.memory_space<hbm>> -> memref<1x625x128xf32, #tpu.memory_space<hbm>>
      %dma_start3A_175 = tpu.memref_squeeze %dma_start3A_174 : memref<1x625x128xf32, #tpu.memory_space<hbm>> -> memref<625x128xf32, #tpu.memory_space<hbm>>
      %dma_start3A_176 = arith.constant 0 : i32
      %dma_start3A_177 = tpu.memref_slice %arg8[%mul3A_21, %dma_start3A_176] : memref<10000x128xf32, #tpu.memory_space<vmem_shared>> -> memref<625x128xf32, #tpu.memory_space<vmem_shared>>
      tpu.enqueue_dma source(%dma_start3A_177 : memref<625x128xf32, #tpu.memory_space<vmem_shared>>) target(%dma_start3A_175 : memref<625x128xf32, #tpu.memory_space<hbm>>) target_semaphore(%run_scoped3A_172 : memref<!tpu.dma_semaphore, #tpu.memory_space<semaphore_mem>>)
      %dma_wait3A_178 = arith.constant 0 : i32
      %dma_wait3A_179 = tpu.memref_slice %arg4[%arg0, %mul3A_21, %dma_wait3A_178] : memref<2x10000x128xf32, #tpu.memory_space<hbm>> -> memref<1x625x128xf32, #tpu.memory_space<hbm>>
      %dma_wait3A_180 = tpu.memref_squeeze %dma_wait3A_179 : memref<1x625x128xf32, #tpu.memory_space<hbm>> -> memref<625x128xf32, #tpu.memory_space<hbm>>
      %dma_wait3A_181 = arith.constant 0 : i32
      %dma_wait3A_182 = tpu.memref_slice %arg8[%mul3A_21, %dma_wait3A_181] : memref<10000x128xf32, #tpu.memory_space<vmem_shared>> -> memref<625x128xf32, #tpu.memory_space<vmem_shared>>
      tpu.wait_dma2 semaphore(%run_scoped3A_172 : memref<!tpu.dma_semaphore, #tpu.memory_space<semaphore_mem>>) src(%dma_wait3A_182 : memref<625x128xf32, #tpu.memory_space<vmem_shared>>) dst(%dma_wait3A_180 : memref<625x128xf32, #tpu.memory_space<hbm>>)
      tpu.yield
    }) : () -> ()
    return
  }
}

module attributes {stable_mosaic.version = 14 : i64} {
  func.func @_tc_body(%arg0: i32, %arg1: memref<2000x128xf32, #tpu.memory_space<vmem>>, %arg2: memref<2x2000x128xf32, #tpu.memory_space<vmem>>, %arg3: memref<256x128xf32, #tpu.memory_space<vmem>>, %arg4: memref<1x128xf32, #tpu.memory_space<vmem>>, %arg5: memref<2000x128xf32, #tpu.memory_space<vmem>>, %arg6: memref<1x1xf32, #tpu.memory_space<smem>>) attributes {dimension_semantics = [#tpu.dimension_semantics<arbitrary>], iteration_bounds = array<i64: 5>, scalar_prefetch = 0 : i64, scratch_operands = 0 : i64, tpu.core_type = #tpu.core_type<tc>, window_params = [{transform_indices = @transform_0, window_bounds = array<i64: 2000, 128>}, {transform_indices = @transform_1, window_bounds = array<i64: 2, 2000, 128>}, {pipeline_mode = #tpu.pipeline_mode<synchronous>, transform_indices = @transform_2, window_bounds = array<i64: 256, 128>}, {pipeline_mode = #tpu.pipeline_mode<synchronous>, transform_indices = @transform_3, window_bounds = array<i64: 1, 128>}, {transform_indices = @transform_4, window_bounds = array<i64: 2000, 128>}, {transform_indices = @transform_5, window_bounds = array<i64: 1, 1>}]} {
    %get3A = arith.constant 0 : index
    %get3A_0 = arith.constant 0 : index
    %get3A_1 = arith.constant 0 : index
    %get3A_2 = vector.load %arg2[%get3A, %get3A_0, %get3A_1] : memref<2x2000x128xf32, #tpu.memory_space<vmem>>, vector<1x2000x128xf32>
    %get3A_3 = vector.shape_cast %get3A_2 : vector<1x2000x128xf32> to vector<2000x128xf32>
    %get3A_4 = arith.constant 1 : index
    %get3A_5 = arith.constant 0 : index
    %get3A_6 = arith.constant 0 : index
    %get3A_7 = vector.load %arg2[%get3A_4, %get3A_5, %get3A_6] : memref<2x2000x128xf32, #tpu.memory_space<vmem>>, vector<1x2000x128xf32>
    %get3A_8 = vector.shape_cast %get3A_7 : vector<1x2000x128xf32> to vector<2000x128xf32>
    %add3A = arith.addf %get3A_3, %get3A_8 : vector<2000x128xf32>
    %jit3A = arith.constant 0.000000e+00 : f32
    %jit3A_9 = arith.constant 1.000000e+01 : f32
    %max3A = vector.broadcast %jit3A : f32 to vector<2000x128xf32>
    %max3A_10 = arith.maximumf %max3A, %add3A : vector<2000x128xf32>
    %min3A = vector.broadcast %jit3A_9 : f32 to vector<2000x128xf32>
    %min3A_11 = arith.minimumf %min3A, %max3A_10 : vector<2000x128xf32>
    %get3A_12 = arith.constant 0 : index
    %get3A_13 = arith.constant 0 : index
    %get3A_14 = vector.load %arg1[%get3A_12, %get3A_13] : memref<2000x128xf32, #tpu.memory_space<vmem>>, vector<2000x128xf32>
    %get3A_15 = arith.constant 0 : index
    %get3A_16 = arith.constant 0 : index
    %get3A_17 = vector.load %arg3[%get3A_15, %get3A_16] : memref<256x128xf32, #tpu.memory_space<vmem>>, vector<128x128xf32>
    %dot_general3A = arith.constant dense<0.000000e+00> : vector<2000x128xf32>
    %dot_general3A_18 = tpu.matmul %get3A_14, %get3A_17, %dot_general3A {dimension_numbers = #tpu.dot_dimension_numbers<[1], [0], [0], [1], [0, 0, 1, 1], [], []>, transpose_lhs_hint = false} : vector<2000x128xf32>, vector<128x128xf32>, vector<2000x128xf32> -> vector<2000x128xf32>
    %get3A_19 = arith.constant 128 : index
    %get3A_20 = arith.constant 0 : index
    %get3A_21 = vector.load %arg3[%get3A_19, %get3A_20] : memref<256x128xf32, #tpu.memory_space<vmem>>, vector<128x128xf32>
    %dot_general3A_22 = arith.constant dense<0.000000e+00> : vector<2000x128xf32>
    %dot_general3A_23 = tpu.matmul %min3A_11, %get3A_21, %dot_general3A_22 {dimension_numbers = #tpu.dot_dimension_numbers<[1], [0], [0], [1], [0, 0, 1, 1], [], []>, transpose_lhs_hint = false} : vector<2000x128xf32>, vector<128x128xf32>, vector<2000x128xf32> -> vector<2000x128xf32>
    %add3A_24 = arith.addf %dot_general3A_18, %dot_general3A_23 : vector<2000x128xf32>
    %get3A_25 = arith.constant 0 : index
    %get3A_26 = arith.constant 0 : index
    %get3A_27 = vector.load %arg4[%get3A_25, %get3A_26] : memref<1x128xf32, #tpu.memory_space<vmem>>, vector<1x128xf32>
    %add3A_28 = vector.broadcast %get3A_27 : vector<1x128xf32> to vector<2000x128xf32>
    %add3A_29 = arith.addf %add3A_24, %add3A_28 : vector<2000x128xf32>
    %reduce_max3A = arith.constant dense<0xFF800000> : vector<2000xf32>
    %reduce_max3A_30 = vector.multi_reduction <maximumf>, %add3A_29, %reduce_max3A [1] : vector<2000x128xf32> to vector<2000xf32>
    %broadcast_in_dim3A = vector.shape_cast %reduce_max3A_30 : vector<2000xf32> to vector<2000x1xf32>
    %iota3A = tpu.iota {dimensions = array<i32: 1>} : vector<2000x128xi32>
    %eq3A = vector.broadcast %broadcast_in_dim3A : vector<2000x1xf32> to vector<2000x128xf32>
    %eq3A_31 = arith.cmpf oeq, %add3A_29, %eq3A : vector<2000x128xf32>
    %jit3A_32 = arith.constant 128 : i32
    %broadcast_in_dim3A_33 = vector.broadcast %jit3A_32 : i32 to vector<2000x128xi32>
    %select_n3A = arith.select %eq3A_31, %iota3A, %broadcast_in_dim3A_33 : vector<2000x128xi1>, vector<2000x128xi32>
    %reduce_min3A = arith.constant dense<2147483647> : vector<2000xi32>
    %reduce_min3A_34 = vector.multi_reduction <minsi>, %select_n3A, %reduce_min3A [1] : vector<2000x128xi32> to vector<2000xi32>
    %broadcast_in_dim3A_35 = vector.shape_cast %reduce_min3A_34 : vector<2000xi32> to vector<2000x1xi32>
    %eq3A_36 = vector.broadcast %broadcast_in_dim3A_35 : vector<2000x1xi32> to vector<2000x128xi32>
    %eq3A_37 = arith.cmpi eq, %iota3A, %eq3A_36 : vector<2000x128xi32>
    %convert_element_type3A = arith.extui %eq3A_37 : vector<2000x128xi1> to vector<2000x128xi32>
    %convert_element_type3A_38 = arith.sitofp %convert_element_type3A : vector<2000x128xi32> to vector<2000x128xf32>
    %swap3A = arith.constant 0 : index
    %swap3A_39 = arith.constant 0 : index
    %swap3A_40 = vector.load %arg5[%swap3A, %swap3A_39] : memref<2000x128xf32, #tpu.memory_space<vmem>>, vector<2000x128xf32>
    tpu.vector_store %arg5[%swap3A, %swap3A_39], %convert_element_type3A_38 {strides = array<i32>} : memref<2000x128xf32, #tpu.memory_space<vmem>>, vector<2000x128xf32>,
    %eq3A_41 = arith.constant 0 : i32
    %eq3A_42 = arith.cmpi eq, %arg0, %eq3A_41 : i32
    %convert_element_type3A_43 = arith.extui %eq3A_42 : i1 to i32
    %cond3A = arith.constant 0 : i32
    %cond3A_44 = arith.cmpi ne, %convert_element_type3A_43, %cond3A : i32
    scf.if %cond3A_44 {
      %swap3A_56 = arith.constant 0.000000e+00 : f32
      %swap3A_57 = arith.constant 0 : index
      %swap3A_58 = arith.constant 0 : index
      %swap3A_59 = memref.load %arg6[%swap3A_57, %swap3A_58] : memref<1x1xf32, #tpu.memory_space<smem>>
      memref.store %swap3A_56, %arg6[%swap3A_57, %swap3A_58] : memref<1x1xf32, #tpu.memory_space<smem>>
    } else {
    }
    %get3A_45 = arith.constant 0 : index
    %get3A_46 = arith.constant 0 : index
    %get3A_47 = memref.load %arg6[%get3A_45, %get3A_46] : memref<1x1xf32, #tpu.memory_space<smem>>
    %sub3A = arith.subf %convert_element_type3A_38, %add3A_29 : vector<2000x128xf32>
    %integer_pow3A = arith.mulf %sub3A, %sub3A : vector<2000x128xf32>
    %reduce_sum3A = vector.shape_cast %integer_pow3A : vector<2000x128xf32> to vector<1x2000x128xf32>
    %reduce_sum3A_48 = arith.constant dense<0.000000e+00> : vector<1xf32>
    %reduce_sum3A_49 = vector.multi_reduction <add>, %reduce_sum3A, %reduce_sum3A_48 [1, 2] : vector<1x2000x128xf32> to vector<1xf32>
    %reduce_sum3A_50 = vector.shape_cast %reduce_sum3A_49 : vector<1xf32> to vector<1x1x1xf32>
    %reduce_sum3A_51 = vector.extract %reduce_sum3A_50[0, 0, 0] : f32 from vector<1x1x1xf32>
    %add3A_52 = arith.addf %get3A_47, %reduce_sum3A_51 : f32
    %swap3A_53 = arith.constant 0 : index
    %swap3A_54 = arith.constant 0 : index
    %swap3A_55 = memref.load %arg6[%swap3A_53, %swap3A_54] : memref<1x1xf32, #tpu.memory_space<smem>>
    memref.store %add3A_52, %arg6[%swap3A_53, %swap3A_54] : memref<1x1xf32, #tpu.memory_space<smem>>
    return
  }
  func.func @transform_0(%arg0: i32) -> (i32, i32) {
    %c0_i32 = arith.constant 0 : i32
    %c0_i32_0 = arith.constant 0 : i32
    return %arg0, %c0_i32 : i32, i32
  }
  func.func @transform_1(%arg0: i32) -> (i32, i32, i32) {
    %c0_i32 = arith.constant 0 : i32
    %c0_i32_0 = arith.constant 0 : i32
    %c0_i32_1 = arith.constant 0 : i32
    return %c0_i32, %arg0, %c0_i32_0 : i32, i32, i32
  }
  func.func @transform_2(%arg0: i32) -> (i32, i32) {
    %c0_i32 = arith.constant 0 : i32
    %c0_i32_0 = arith.constant 0 : i32
    %c0_i32_1 = arith.constant 0 : i32
    return %c0_i32, %c0_i32_0 : i32, i32
  }
  func.func @transform_3(%arg0: i32) -> (i32, i32) {
    %c0_i32 = arith.constant 0 : i32
    %c0_i32_0 = arith.constant 0 : i32
    %c0_i32_1 = arith.constant 0 : i32
    return %c0_i32, %c0_i32_0 : i32, i32
  }
  func.func @transform_4(%arg0: i32) -> (i32, i32) {
    %c0_i32 = arith.constant 0 : i32
    %c0_i32_0 = arith.constant 0 : i32
    return %arg0, %c0_i32 : i32, i32
  }
  func.func @transform_5(%arg0: i32) -> (i32, i32) {
    %c0_i32 = arith.constant 0 : i32
    %c0_i32_0 = arith.constant 0 : i32
    %c0_i32_1 = arith.constant 0 : i32
    return %c0_i32, %c0_i32_0 : i32, i32
  }
}

</mosaic_0001>

<sc_bundles>
// kernel: kernel.4.cloned.1.call-start
scs
__scs_entry_jumppad:
0x0: {  	(pc) =	sbr.rel $0x88, $3  }
0x1: {  	(tag) =	ssettag $0x0;
	lr =	simm.s32 $0x1  }
0x2: {  	[smem:$0x3F9D] =	sst lr;
	_ =	strace $0xD0000000  }
0x3: {  	_ = 	snop  }
0x4: {  	_ = 	snop  }
0x5: {  	_ = 	snop  }
0x6: {  	_ = 	snop  }
0x7: {  	_ = 	snop  }
__scs_overlays_trampoline_lowered:
0x8: {  	[smem:$0x3FAC] =	sst s0  }
0x9: {  	[smem:$0x3FAD] =	sst s1  }
0xa: {  	[smem:$0x3FAE] =	sst s2  }
0xb: {  	[smem:$0x3FAF] =	sst s3  }
0xc: {  	[smem:$0x3FB0] =	sst s4  }
0xd: {  	[smem:$0x3FB1] =	sst s5  }
0xe: {  	[smem:$0x3FB2] =	sst s6  }
0xf: {  	[smem:$0x3FB3] =	sst s7  }
0x10: {  	[smem:$0x3FB4] =	sst s8  }
0x11: {  	[smem:$0x3FB5] =	sst s9;
	s0 =	simm.s32 @!p0 $0x0  }
0x12: {  	s1 =	sld [smem:$0x3F9B];
	s0 =	simm.s32 @p0 $0x1  }
0x13: {  	[smem:$0x3FB6] =	sst s0;
	s0 =	simm.s32 @!p1 $0x0  }
0x14: {  	s2 =	sld [smem:$0x3F9A];
	s0 =	simm.s32 @p1 $0x1  }
0x15: {  	[smem:$0x3FB7] =	sst s0;
	s0 =	simm.s32 @!p2 $0x0  }
0x16: {  	s3 =	sld [smem:$0x3FDB];
	s0 =	simm.s32 @p2 $0x1  }
0x17: {  	s4 =	simm.s32 $0x1BF5;
	[smem:$0x3FB9] =	sst s0  }
0x18: {  	s0 =	sld [smem:$0x3F9C];
	_ =	swait.ge [sflag:s4], $0x0  }
0x19: {  	s7 =	sld [smem:$0x3F9D]  }
0x1a: {  	s8 =	sadd.s32 $0xFFFFE003, lr  }
0x1b: {  	s9 =	sadd.s32 $0xFFFFFEF7, lr;
	s5 =	simm.s32 $0xFFFFFFFF;
	p2 =	slt.u32 s8, $0xFFFFF086  }
0x1c: {  	p1 =	slt.u32 s9, $0xF7A;
	s5 =	simm.s32 @!p2 $0x0  }
0x1d: {  	s5 =	simm.s32 @p1 $0x1;
	p0 =	seq.s32 s7, s2  }
0x1e: {  	s7 =	smul.u32 @!p0 $0xF7A, s2;
	p2 =	seq.s32 @!p0 s5, $0x0  }
0x1f: {  	s9 =	smul.u32 $0xF7A, s1;
	s8 =	simm.s32 @!p0 $0x1BF5;
	p2 =	por !p2, p0  }
0x20: {  	[sflag:s8] =	ssyncset.s32 @!p0 $0xFFFFF086;
	s6 =	sadd.s32 @!p0 s3, s7;
	s7 =	simm.s32 @!p0 $0x108  }
0x21: {  	s3 =	sadd.s32 s3, s9;
	s6 =	sadd.s32 @!p0 $0x88, s6;
	s7 =	simm.s32 @p2 $0x1082  }
0x22: {  	[simem:s7], [sflag:s8] =	dma.local @!p0 [hbm:s6], $0xF7A  }
0x23: {  	s9 =	sor.u32 $0xD0000000, s2;
	s6 =	simm.s32 $0x108;
	_ =	swait.ge @!p0 [sflag:s8], $0x0  }
0x24: {  	s3 =	sadd.s32 $0x88, s3;
	s6 =	simm.s32 @!p1 $0x1082;
	[sflag:s4] =	ssyncset.s32 $0xFFFFF086  }
0x25: {  	[simem:s6], [sflag:s4] =	dma.local [hbm:s3], $0xF7A  }
0x26: {  	[smem:$0x3F9D] =	sst s1;
	(tag) =	ssettag s2;
	_ =	strace s9  }
0x27: {  	s1 =	sld [smem:$0x3FAD]  }
0x28: {  	s2 =	sld [smem:$0x3FAE]  }
0x29: {  	s4 =	sld [smem:$0x3FB0]  }
0x2a: {  	p0 =	seq.s32 s5, $0x0;
	s5 =	sld [smem:$0x3FB1]  }
0x2b: {  	s6 =	sld [smem:$0x3FB2]  }
0x2c: {  	s7 =	sld [smem:$0x3FB3]  }
0x2d: {  	s3 =	simm.s32 $0x108;
	s8 =	sld [smem:$0x3FB4]  }
0x2e: {  	s3 =	simm.s32 @!p0 $0x1082;
	s9 =	sld [smem:$0x3FB5]  }
0x2f: {  	lr =	sadd.s32 s0, s3;
	s0 =	sld [smem:$0x3FAC]  }
0x30: {  	s3 =	sld [smem:$0x3FAF]  }
0x31: {  	[smem:$0x3FB8] =	sst s10  }
0x32: {  	s10 =	sld [smem:$0x3FB6];
	_ =	sdelay $0x3  }
0x33: {  	p0 =	seq.s32 s10, $0x1;
	s10 =	sld [smem:$0x3FB8];
	_ =	sdelay $0x3  }
0x34: {  	[smem:$0x3FB8] =	sst s10  }
0x35: {  	s10 =	sld [smem:$0x3FB7];
	_ =	sdelay $0x3  }
0x36: {  	p1 =	seq.s32 s10, $0x1;
	s10 =	sld [smem:$0x3FB8];
	_ =	sdelay $0x3  }
0x37: {  	[smem:$0x3FB8] =	sst s10  }
0x38: {  	s10 =	sld [smem:$0x3FB9]  }
0x39: {  	_ = 	snop;
	(pc) =	sbr.ind lr, $3  }
0x3a: {  	_ = 	snop  }
0x3b: {  	_ = 	snop  }
0x3c: {  	p2 =	seq.s32 s10, $0x1;
	s10 =	sld [smem:$0x3FB8]  }
0x3d: {  	_ =	shalt  }
0x3e: {  	_ =	shalt  }
0x3f: {  	_ =	shalt  }
0x40: {  	_ =	shalt  }
0x41: {  	_ =	shalt  }
0x42: {  	_ =	shalt  }
0x43: {  	_ =	shalt  }
0x44: {  	_ =	shalt  }
0x45: {  	_ =	shalt  }
0x46: {  	_ =	shalt  }
0x47: {  	_ =	shalt  }
0x48: {  	_ =	shalt  }
0x49: {  	_ =	shalt  }
0x4a: {  	_ =	shalt  }
0x4b: {  	_ =	shalt  }
0x4c: {  	_ =	shalt  }
0x4d: {  	_ =	shalt  }
0x4e: {  	_ =	shalt  }
0x4f: {  	_ =	shalt  }
0x50: {  	_ =	shalt  }
0x51: {  	_ =	shalt  }
0x52: {  	_ =	shalt  }
0x53: {  	_ =	shalt  }
0x54: {  	_ =	shalt  }
0x55: {  	_ =	shalt  }
0x56: {  	_ =	shalt  }
0x57: {  	_ =	shalt  }
0x58: {  	_ =	shalt  }
0x59: {  	_ =	shalt  }
0x5a: {  	_ =	shalt  }
0x5b: {  	_ =	shalt  }
0x5c: {  	_ =	shalt  }
0x5d: {  	_ =	shalt  }
0x5e: {  	_ =	shalt  }
0x5f: {  	_ =	shalt  }
0x60: {  	_ =	shalt  }
0x61: {  	_ =	shalt  }
0x62: {  	_ =	shalt  }
0x63: {  	_ =	shalt  }
0x64: {  	_ =	shalt  }
0x65: {  	_ =	shalt  }
0x66: {  	_ =	shalt  }
0x67: {  	_ =	shalt  }
0x68: {  	_ =	shalt  }
0x69: {  	_ =	shalt  }
0x6a: {  	_ =	shalt  }
0x6b: {  	_ =	shalt  }
0x6c: {  	_ =	shalt  }
0x6d: {  	_ =	shalt  }
0x6e: {  	_ =	shalt  }
0x6f: {  	_ =	shalt  }
0x70: {  	_ =	shalt  }
0x71: {  	_ =	shalt  }
0x72: {  	_ =	shalt  }
0x73: {  	_ =	shalt  }
0x74: {  	_ =	shalt  }
0x75: {  	_ =	shalt  }
0x76: {  	_ =	shalt  }
0x77: {  	_ =	shalt  }
0x78: {  	_ =	shalt  }
0x79: {  	_ =	shalt  }
0x7a: {  	_ =	shalt  }
0x7b: {  	_ =	shalt  }
0x7c: {  	_ =	shalt  }
0x7d: {  	_ =	shalt  }
0x7e: {  	_ =	shalt  }
0x7f: {  	_ =	shalt  }
0x80: {  	_ =	shalt  }
0x81: {  	_ =	shalt  }
0x82: {  	_ =	shalt  }
0x83: {  	_ =	shalt  }
0x84: {  	_ =	shalt  }
0x85: {  	_ =	shalt  }
0x86: {  	_ =	shalt  }
0x87: {  	_ =	shalt  }
.Lfunc_end0:
.L_simem_size_0:
called_computation_lowered:
.L_overlay_start_0:
0x88: {  	s2 =	sld [smem:$0x3FD9]  }
0x89: {  	s3 =	sld [smem:$0x3FFE];
	_ =	sdelay $0x1  }
0x8a: {  	s1 =	srdreg.scid  }
0x8b: {  	s0 =	sand.u32 $0x1, s1  }
0x8c: {  	s14 =	sshll.u32 s0, $0xA;
	s2 =	sadd.s32 s3, s2  }
0x8d: {  	s2 =	sadd.s32 s2, s14  }
0x8e: {  	[smem:$0x3FC4] =	sst s2  }
0x8f: {  	_ = 	snop  }
0x90: {  	s2 =	sld [smem:$0x3FD0];
	_ =	sdelay $0x2  }
0x91: {  	s4 =	simm.s32 $0xA;
	s5 =	simm.s32 $0x10;
	s15 =	sld [smem:$0x3FC9]  }
0x92: {  	[smem:s5], [sflag:s4] =	dma.local [hbm:s2], $0x1  }
0x93: {  	_ =	swait.eq [sflag:s4], $0x1  }
0x94: {  	[sflag:s4] =	ssyncset.done $0x0  }
0x95: {  	[sflag:s4] =	ssyncadd.s32 $0xFFFFFFFF  }
0x96: {  	s16 =	sld [smem:$0x10];
	(tm) =	ssettm $0x1  }
0x97: {  	s17 =	sld [smem:$0x3FFB];
	_ =	sdelay $0x3  }
0x98: {  	_ =	strace s17  }
0x99: {  	s4 =	sld [smem:$0x3FFC];
	_ =	sdelay $0x3  }
0x9a: {  	_ =	strace s4  }
0x9b: {  	s4 =	sld [smem:$0x3FFD];
	_ =	sdelay $0x3  }
0x9c: {  	_ =	strace s4  }
0x9d: {  	_ =	strace $0x8FFFFFFF  }
0x9e: {  	s18 =	sld [smem:$0x3FDB];
	_ =	sdelay $0x1  }
0x9f: {  	s19 =	simm.s32 $_scs_section_size  }
0xa0: {  	s6 =	simm.s32 $_size__tile_overlayer_lowered;
	s7 =	simm.s32 $_tile_overlayer_lowered  }
0xa1: {  	s22 =	simm.s32 $0x1BFF;
	s21 =	sshll.u32 s7, $0x1;
	s4 =	sadd.s32 s19, s18  }
0xa2: {  	s8 =	simm.s32 $0x0;
	s20 =	sshll.u32 s6, $0x1;
	s6 =	sadd.s32 s21, s4  }
0xa3: {  	[timem:s8], [sflag:s22] =	dma.local [hbm:s6], s20  }
0xa4: {  	_ =	swait.ge [sflag:s22], s20  }
0xa5: {  	s5 =	ssub.s32 $0x0, s20;
	[sflag:s22] =	ssyncset.done $0x0  }
0xa6: {  	[sflag:s22] =	ssyncadd.s32 s5;
	_ =	sdelay $0x1  }
0xa7: {  	s23 =	simm.s32 $0x1B8B  }
0xa8: {  	_ =	swait.ge [sflag:s23], $0x1  }
0xa9: {  	[sflag:s23] =	ssyncset.done $0x0  }
0xaa: {  	s25 =	simm.s32 $0x1B8E;
	s24 =	sld [smem:$0x3FFE];
	[sflag:s23] =	ssyncadd.s32 $0xFFFFFFFF  }
0xab: {  	s26 =	simm.s32 $execute0_lowered;
	[smem:$0x3FD2] =	sst s25  }
0xac: {  	s6 =	sshll.u32 s26, $0x1;
	_ =	strace $0x80000046;
	[dreg:$0x1] =	wrdreg $0xFFFFFFFF  }
0xad: {  	s28 =	simm.s32 $_size_execute0_lowered;
	s4 =	sadd.s32 s4, s6;
	[dreg:$0x0] =	wrdreg $0x0  }
0xae: {  	s6 =	sshll.u32 s28, $0x1;
	[dreg:$0x2] =	wrdreg s4  }
0xaf: {  	[dreg:$0x3] =	wrdreg s6  }
0xb0: {  	[dreg:$0x4] =	wrdreg $0xC0  }
0xb1: {  	_ =	task [dreg:s8], $0x5FFFF  }
0xb2: {  	[dreg:$0x1] =	wrdreg $0xFFFFFFFF  }
0xb3: {  	[dreg:$0x0] =	wrdreg $0x60  }
0xb4: {  	[dreg:$0x2] =	wrdreg s15  }
0xb5: {  	[dreg:$0x3] =	wrdreg s16  }
0xb6: {  	[dreg:$0x4] =	wrdreg s24  }
0xb7: {  	[dreg:$0x5] =	wrdreg $0xC6200  }
0xb8: {  	[dreg:$0x6] =	wrdreg $0x9  }
0xb9: {  	_ =	task.clear_ibuf [dreg:s8], $0x7FFFF;
	_ =	strace $0x90000046  }
0xba: {  	s29 =	simm.s32 $0x9;
	_ =	strace $0x80000048  }
0xbb: {  	_ =	swait.ge [sflag:s29], $0x1  }
0xbc: {  	[sflag:s29] =	ssyncadd.s32 $0xFFFFFFFF  }
0xbd: {  	_ =	strace $0x90000048  }
0xbe: {  	_ =	sfence  }
0xbf: {  	s30 =	sld [smem:$0x0];
	_ =	sdelay $0x2  }
0xc0: {  	s31 =	sshll.u32 s1, $0xD;
	s1 =	sshrl.u32 s1, $0x2  }
0xc1: {  	s3 =	sand.u32 $0x4000, s31;
	s1 =	sadd.s32 s1, s30  }
0xc2: {  	s0 =	sor.u32 s3, s0;
	s1 =	sshll.u32 s1, $0x11  }
0xc3: {  	s0 =	sor.u32 s1, s0  }
0xc4: {  	s0 =	sadd.s32 $0x8F2B, s0  }
0xc5: {  	[sflag:s0] =	ssyncadd.remote.s32 $0x1  }
0xc6: {  	_ =	sfence.sel $0xFFFF  }
0xc7: {  	[dreg:$0x0] =	wrdreg $0xFFFFFFFF;
	(pc) =	sbr.abs _section_cstart, $3  }
0xc8: {  	[dreg:$0x1] =	wrdreg $0xFFFFFFFF  }
0xc9: {  	_ =	task.clear_ibuf [dreg:s8], $0x2FFFF;
	_ =	strace $0x9FFFFFFF  }
0xca: {  	(tm) =	ssettm $0x7FFFFFFF  }
0xcb: {  	_ =	shalt  }
tec
execute0_lowered:
.L_overlay_start_1:
0x0: {  	(tag) =	ssettag $0x1  }
0x1: {  	s1 =	rddreg [dreg:$0x0]  }
0x2: {  	s0 =	rddreg [dreg:$0x1]  }
0x3: {  	s2 =	rddreg [dreg:$0x2]  }
0x4: {  	s3 =	rddreg [dreg:$0x3]  }
0x5: {  	s4 =	srdreg.scid;
	s9 =	stileid.u32;
	s17 =	simm.s32 $0x4  }
0x6: {  	s19 =	simm.s32 $0x50;
	s20 =	simm.s32 $0x4E20;
	s21 =	simm.s32 $0x7620  }
0x7: {  	s23 =	simm.s32 $0x9E20;
	s24 =	simm.s32 $0x1;
	s25 =	simm.s32 $0x2  }
0x8: {  	s26 =	simm.s32 $0x3;
	s18 =	simm.s32 $0x4DD0;
	s22 =	simm.s32 $0x0  }
0x9: {  	s5 =	sand.u32 $0x1, s4;
	s7 =	smul.u32 $0x13880, s9;
	s4 =	simm.s32 $0x0  }
0xa: {  	s6 =	smul.u32 $0x138800, s5;
	s8 =	sshll.u32 s5, $0x4;
	[smem:$0x7FF] =	sst s4  }
0xb: {  	s5 =	ssub.s32 $0x2, s5;
	s8 =	sor.u32 s9, s8;
	s9 =	smul.u32 $0x4E200, s9  }
0xc: {  	_ =	strace $0x80000047;
	s30 =	sshrl.u32 s5, $0x1;
	s8 =	smul.u32 $0x2710, s8  }
0xd: {  	s6 =	sadd.s32 s7, s6;
	s16 =	ssub.s32 s5, s30;
	s7 =	sadd.s32 s7, s3  }
0xe: {  	s6 =	sshrl.u32 s6, $0x3;
	s31 =	sshrl.u32 s9, $0x2;
	s8 =	sshrl.u32 s8, $0x3  }
0xf: {  	s16 =	smax.u32 s16, $0x1;
	s2 =	sadd.s32 s6, s2;
	s5 =	sadd.s32 s0, s8  }
0x10: {  	s0 =	sadd.s32 s31, s3;
	s15 =	sadd.s32 $0x1400, s2;
	s2 =	simm.s32 $0x4D80  }
0x11: {  	s6 =	sadd.s32 $0x9C40, s5;
	s8 =	sadd.s32 $0x2800, s0;
	s9 =	sadd.s32 $0x5000, s0  }
0x12: {  	s10 =	sadd.s32 $0x7800, s0;
	s11 =	sadd.s32 $0xA000, s0;
	s12 =	sadd.s32 $0xC800, s0  }
0x13: {  	v0 =	vimm.f32 $0.0e+00;
	s13 =	sadd.s32 $0xF000, s0;
	s14 =	sadd.s32 $0x11800, s0;
	s0 =	simm.s32 $0x26C0  }
.LBB2_1:
0x14: {  	[tilespmem:s4], [sflag:$0x4] =	stream.linear.gather [hbm4b:s5+s4], $0x2710, $0x38;
	[tilespmem:$0x1FEA0] =	vst v63  }
0x15: {  	_ =	swait.ge [sflag:s17], $0x2710  }
0x16: {  	[sflag:s17] =	ssyncset.done $0x0  }
0x17: {  	s28 =	simm.s32 $0x2710;
	[sflag:s17] =	ssyncadd.s32 $0xFFFFD8F0  }
0x18: {  	[tilespmem:s28], [sflag:$0x4] =	stream.linear.gather [hbm4b:s6+s4], $0x2710, $0x38;
	[tilespmem:$0x1FEA0] =	vst v63  }
0x19: {  	s29 =	sand.u32 $0x70, s4;
	s28 =	sand.u32 $0xFE00, s4;
	_ =	swait.ge [sflag:s17], $0x2710  }
0x1a: {  	s30 =	sshrl.u32 s28, $0x2;
	s28 =	simm.s32 $0x40;
	[sflag:s17] =	ssyncset.done $0x0  }
0x1b: {  	s30 =	sor.u32 s29, s30;
	s29 =	simm.s32 $0x0;
	[sflag:s17] =	ssyncadd.s32 $0xFFFFD8F0  }
0x1c: {  	[tilespmem:s20], [sflag:$0x1] =	stream.indirect.gather [hbm4b:s1+s19], $0x80, s4, s19, $0xb8;
	[tilespmem:$0x1FEA0] =	vst v63  }
.LBB2_2:
0x1d: {  	p0 =	sne.s32 s28, $0x9FC0  }
0x1e: {  	[tilespmem:s30+$0x7620] =	vst v0;
	s29 =	sadd.s32 $0x10, s29;
	s30 =	smov.u32 s28;
	s28 =	sadd.s32 $0x40, s28  }
.Ltmp0:
0x1f: {  	(pc) =	sbr.rel @p0 .LBB2_2-.Ltmp0, $4  }
0x20: {  	_ = 	snop  }
0x21: {  	s30 =	sand.u32 $0xFE00, s30  }
0x22: {  	s31 =	sand.u32 $0x70, s29;
	s30 =	sshrl.u32 s30, $0x2  }
0x23: {  	s30 =	sor.u32 s31, s30  }
0x24: {  	[tilespmem:s30+$0x7620] =	vst v0  }
0x25: {  	[spmem:s7] =	stream.linear.scatter [tilespmem:s21], [sflag:$0x4], $0x2800, $0x38;
	[tilespmem:$0x1FEA0] =	vst v63  }
0x26: {  	_ =	swait.ge [sflag:s17], $0x2800  }
0x27: {  	[sflag:s17] =	ssyncset.done $0x0  }
0x28: {  	[sflag:s17] =	ssyncadd.s32 $0xFFFFD800  }
0x29: {  	[spmem:s8] =	stream.linear.scatter [tilespmem:s21], [sflag:$0x4], $0x2800, $0x38;
	[tilespmem:$0x1FEA0] =	vst v63  }
0x2a: {  	_ =	swait.ge [sflag:s17], $0x2800  }
0x2b: {  	[sflag:s17] =	ssyncset.done $0x0  }
0x2c: {  	[sflag:s17] =	ssyncadd.s32 $0xFFFFD800  }
0x2d: {  	[spmem:s9] =	stream.linear.scatter [tilespmem:s21], [sflag:$0x4], $0x2800, $0x38;
	[tilespmem:$0x1FEA0] =	vst v63  }
0x2e: {  	_ =	swait.ge [sflag:s17], $0x2800  }
0x2f: {  	[sflag:s17] =	ssyncset.done $0x0  }
0x30: {  	[sflag:s17] =	ssyncadd.s32 $0xFFFFD800  }
0x31: {  	[spmem:s10] =	stream.linear.scatter [tilespmem:s21], [sflag:$0x4], $0x2800, $0x38;
	[tilespmem:$0x1FEA0] =	vst v63  }
0x32: {  	_ =	swait.ge [sflag:s17], $0x2800  }
0x33: {  	[sflag:s17] =	ssyncset.done $0x0  }
0x34: {  	[sflag:s17] =	ssyncadd.s32 $0xFFFFD800  }
0x35: {  	[spmem:s11] =	stream.linear.scatter [tilespmem:s21], [sflag:$0x4], $0x2800, $0x38;
	[tilespmem:$0x1FEA0] =	vst v63  }
0x36: {  	_ =	swait.ge [sflag:s17], $0x2800  }
0x37: {  	[sflag:s17] =	ssyncset.done $0x0  }
0x38: {  	[sflag:s17] =	ssyncadd.s32 $0xFFFFD800  }
0x39: {  	[spmem:s12] =	stream.linear.scatter [tilespmem:s21], [sflag:$0x4], $0x2800, $0x38;
	[tilespmem:$0x1FEA0] =	vst v63  }
0x3a: {  	_ =	swait.ge [sflag:s17], $0x2800  }
0x3b: {  	[sflag:s17] =	ssyncset.done $0x0  }
0x3c: {  	[sflag:s17] =	ssyncadd.s32 $0xFFFFD800  }
0x3d: {  	[spmem:s13] =	stream.linear.scatter [tilespmem:s21], [sflag:$0x4], $0x2800, $0x38;
	[tilespmem:$0x1FEA0] =	vst v63  }
0x3e: {  	_ =	swait.ge [sflag:s17], $0x2800  }
0x3f: {  	[sflag:s17] =	ssyncset.done $0x0  }
0x40: {  	[sflag:s17] =	ssyncadd.s32 $0xFFFFD800  }
0x41: {  	[spmem:s14] =	stream.linear.scatter [tilespmem:s21], [sflag:$0x4], $0x2080, $0x38;
	[tilespmem:$0x1FEA0] =	vst v63  }
0x42: {  	_ =	swait.ge [sflag:s17], $0x2080  }
0x43: {  	[sflag:s17] =	ssyncset.done $0x0  }
0x44: {  	[sflag:s17] =	ssyncadd.s32 $0xFFFFDF80  }
0x45: {  	[bflag:$0x0] =	sbarrier.arrive $0xFFFF  }
0x46: {  	[tilespmem:s21], [sflag:$0x2] =	stream.indirect.gather [hbm4b:s1+s19], $0x80, s19, s19, $0xb8;
	[tilespmem:$0x1FEA0] =	vst v63  }
0x47: {  	s28 =	simm.s32 $0xA0  }
0x48: {  	[tilespmem:s23], [sflag:$0x3] =	stream.indirect.gather [hbm4b:s1+s19], $0x80, s28, s19, $0xb8;
	[tilespmem:$0x1FEA0] =	vst v63  }
0x49: {  	_ =	swait.ge [sflag:s24], $0x2800  }
0x4a: {  	[sflag:s24] =	ssyncset.done $0x0  }
0x4b: {  	s28 =	simm.s32 $0x2710;
	[sflag:s24] =	ssyncadd.s32 $0xFFFFD800  }
0x4c: {  	[spmem:s3] =	stream.indirect.scatter.add.f32 [tilespmem:s20], [sflag:$0x4], $0x80, s28, s19, $0xb8;
	[tilespmem:$0x1FEA0] =	vst v63  }
0x4d: {  	_ =	swait.ge [sflag:s17], $0x2800  }
0x4e: {  	[sflag:s17] =	ssyncset.done $0x0  }
0x4f: {  	s28 =	simm.s32 $0xF0;
	[sflag:s17] =	ssyncadd.s32 $0xFFFFD800  }
0x50: {  	[tilespmem:s20], [sflag:$0x1] =	stream.indirect.gather [hbm4b:s1+s19], $0x80, s28, s19, $0xb8;
	[tilespmem:$0x1FEA0] =	vst v63  }
0x51: {  	_ =	swait.ge [sflag:s25], $0x2800  }
0x52: {  	[sflag:s25] =	ssyncset.done $0x0  }
0x53: {  	s28 =	simm.s32 $0x2760;
	[sflag:s25] =	ssyncadd.s32 $0xFFFFD800  }
0x54: {  	[spmem:s3] =	stream.indirect.scatter.add.f32 [tilespmem:s21], [sflag:$0x4], $0x80, s28, s19, $0xb8;
	[tilespmem:$0x1FEA0] =	vst v63  }
0x55: {  	_ =	swait.ge [sflag:s17], $0x2800  }
0x56: {  	[sflag:s17] =	ssyncset.done $0x0  }
0x57: {  	s28 =	simm.s32 $0x140;
	[sflag:s17] =	ssyncadd.s32 $0xFFFFD800  }
0x58: {  	[tilespmem:s21], [sflag:$0x2] =	stream.indirect.gather [hbm4b:s1+s19], $0x80, s28, s19, $0xb8;
	[tilespmem:$0x1FEA0] =	vst v63  }
0x59: {  	_ =	swait.ge [sflag:s26], $0x2800  }
0x5a: {  	[sflag:s26] =	ssyncset.done $0x0  }
0x5b: {  	s28 =	simm.s32 $0x27B0;
	[sflag:s26] =	ssyncadd.s32 $0xFFFFD800  }
0x5c: {  	[spmem:s3] =	stream.indirect.scatter.add.f32 [tilespmem:s23], [sflag:$0x4], $0x80, s28, s19, $0xb8;
	[tilespmem:$0x1FEA0] =	vst v63  }
0x5d: {  	_ =	swait.ge [sflag:s17], $0x2800  }
0x5e: {  	[sflag:s17] =	ssyncset.done $0x0  }
0x5f: {  	s29 =	simm.s32 $0x190;
	s28 =	simm.s32 $0x3C0;
	[sflag:s17] =	ssyncadd.s32 $0xFFFFD800  }
.LBB2_4:
0x60: {  	[tilespmem:s23], [sflag:$0x3] =	stream.indirect.gather [hbm4b:s1+s19], $0x80, s29, s19, $0xb8;
	[tilespmem:$0x1FEA0] =	vst v63  }
0x61: {  	s29 =	smov.u32 s28  }
0x62: {  	p0 =	sne.s32 s28, $0x9240;
	s28 =	sadd.s32 $0x3C0, s28;
	_ =	swait.ge [sflag:s24], $0x2800  }
0x63: {  	s29 =	sshra.s32 s29, $0x2;
	[sflag:s24] =	ssyncset.done $0x0  }
0x64: {  	s30 =	sadd.s32 $0x2710, s29;
	[sflag:s24] =	ssyncadd.s32 $0xFFFFD800  }
0x65: {  	[spmem:s3] =	stream.indirect.scatter.add.f32 [tilespmem:s20], [sflag:$0x4], $0x80, s30, s19, $0xb8;
	[tilespmem:$0x1FEA0] =	vst v63  }
0x66: {  	_ =	swait.ge [sflag:s17], $0x2800  }
0x67: {  	[sflag:s17] =	ssyncset.done $0x0  }
0x68: {  	s30 =	sadd.s32 $0xF0, s29;
	[sflag:s17] =	ssyncadd.s32 $0xFFFFD800  }
0x69: {  	[tilespmem:s20], [sflag:$0x1] =	stream.indirect.gather [hbm4b:s1+s19], $0x80, s30, s19, $0xb8;
	[tilespmem:$0x1FEA0] =	vst v63  }
0x6a: {  	_ =	swait.ge [sflag:s25], $0x2800  }
0x6b: {  	[sflag:s25] =	ssyncset.done $0x0  }
0x6c: {  	s30 =	sadd.s32 $0x2760, s29;
	[sflag:s25] =	ssyncadd.s32 $0xFFFFD800  }
0x6d: {  	[spmem:s3] =	stream.indirect.scatter.add.f32 [tilespmem:s21], [sflag:$0x4], $0x80, s30, s19, $0xb8;
	[tilespmem:$0x1FEA0] =	vst v63  }
0x6e: {  	_ =	swait.ge [sflag:s17], $0x2800  }
0x6f: {  	[sflag:s17] =	ssyncset.done $0x0  }
0x70: {  	s30 =	sadd.s32 $0x140, s29;
	[sflag:s17] =	ssyncadd.s32 $0xFFFFD800  }
0x71: {  	[tilespmem:s21], [sflag:$0x2] =	stream.indirect.gather [hbm4b:s1+s19], $0x80, s30, s19, $0xb8;
	[tilespmem:$0x1FEA0] =	vst v63  }
0x72: {  	_ =	swait.ge [sflag:s26], $0x2800  }
0x73: {  	[sflag:s26] =	ssyncset.done $0x0  }
.Ltmp1:
0x74: {  	s30 =	sadd.s32 $0x27B0, s29;
	[sflag:s26] =	ssyncadd.s32 $0xFFFFD800;
	(pc) =	sbr.rel @p0 .LBB2_4-.Ltmp1, $4  }
0x75: {  	[spmem:s3] =	stream.indirect.scatter.add.f32 [tilespmem:s23], [sflag:$0x4], $0x80, s30, s19, $0xb8;
	[tilespmem:$0x1FEA0] =	vst v63  }
0x76: {  	_ =	swait.ge [sflag:s17], $0x2800  }
0x77: {  	[sflag:s17] =	ssyncset.done $0x0  }
0x78: {  	s29 =	sadd.s32 $0x190, s29;
	[sflag:s17] =	ssyncadd.s32 $0xFFFFD800  }
0x79: {  	[tilespmem:s23], [sflag:$0x3] =	stream.indirect.gather [hbm4b:s1+s19], $0x80, s29, s19, $0xb8;
	[tilespmem:$0x1FEA0] =	vst v63  }
0x7a: {  	_ =	swait.ge [sflag:s24], $0x2800  }
0x7b: {  	[sflag:s24] =	ssyncset.done $0x0  }
0x7c: {  	s28 =	simm.s32 $0x4C90;
	[sflag:s24] =	ssyncadd.s32 $0xFFFFD800  }
0x7d: {  	[spmem:s3] =	stream.indirect.scatter.add.f32 [tilespmem:s20], [sflag:$0x4], $0x80, s28, s19, $0xb8;
	[tilespmem:$0x1FEA0] =	vst v63  }
0x7e: {  	_ =	swait.ge [sflag:s17], $0x2800  }
0x7f: {  	[sflag:s17] =	ssyncset.done $0x0  }
0x80: {  	[sflag:s17] =	ssyncadd.s32 $0xFFFFD800  }
0x81: {  	_ =	swait.ge [sflag:s25], $0x2800  }
0x82: {  	[sflag:s25] =	ssyncset.done $0x0  }
0x83: {  	s30 =	simm.s32 $0x4CE0;
	[sflag:s25] =	ssyncadd.s32 $0xFFFFD800  }
0x84: {  	[spmem:s3] =	stream.indirect.scatter.add.f32 [tilespmem:s21], [sflag:$0x4], $0x80, s30, s19, $0xb8;
	[tilespmem:$0x1FEA0] =	vst v63  }
0x85: {  	_ =	swait.ge [sflag:s17], $0x2800  }
0x86: {  	[sflag:s17] =	ssyncset.done $0x0  }
0x87: {  	[sflag:s17] =	ssyncadd.s32 $0xFFFFD800  }
0x88: {  	_ =	swait.ge [sflag:s26], $0x2800  }
0x89: {  	[sflag:s26] =	ssyncset.done $0x0  }
0x8a: {  	s31 =	simm.s32 $0x4D30;
	[sflag:s26] =	ssyncadd.s32 $0xFFFFD800  }
0x8b: {  	[spmem:s3] =	stream.indirect.scatter.add.f32 [tilespmem:s23], [sflag:$0x4], $0x80, s31, s19, $0xb8;
	[tilespmem:$0x1FEA0] =	vst v63  }
0x8c: {  	_ =	swait.ge [sflag:s17], $0x2800  }
0x8d: {  	[sflag:s17] =	ssyncset.done $0x0  }
0x8e: {  	s29 =	simm.s32 $0x2670;
	[sflag:s17] =	ssyncadd.s32 $0xFFFFD800  }
0x8f: {  	[tilespmem:s20], [sflag:$0x1] =	stream.indirect.gather [hbm4b:s1+s19], $0x80, s29, s19, $0xb8;
	[tilespmem:$0x1FEA0] =	vst v63  }
0x90: {  	_ = 	snop  }
0x91: {  	[tilespmem:s21], [sflag:$0x2] =	stream.indirect.gather [hbm4b:s1+s19], $0x80, s0, s19, $0xb8;
	[tilespmem:$0x1FEA0] =	vst v63  }
0x92: {  	_ =	swait.ge [sflag:s24], $0x2800  }
0x93: {  	[sflag:s24] =	ssyncset.done $0x0  }
0x94: {  	[sflag:s24] =	ssyncadd.s32 $0xFFFFD800  }
0x95: {  	[spmem:s3] =	stream.indirect.scatter.add.f32 [tilespmem:s20], [sflag:$0x4], $0x80, s2, s19, $0xb8;
	[tilespmem:$0x1FEA0] =	vst v63  }
0x96: {  	_ =	swait.ge [sflag:s17], $0x2800  }
0x97: {  	[sflag:s17] =	ssyncset.done $0x0  }
0x98: {  	[sflag:s17] =	ssyncadd.s32 $0xFFFFD800  }
0x99: {  	_ =	swait.ge [sflag:s25], $0x2800  }
0x9a: {  	[sflag:s25] =	ssyncset.done $0x0  }
0x9b: {  	[sflag:s25] =	ssyncadd.s32 $0xFFFFD800  }
0x9c: {  	[spmem:s3] =	stream.indirect.scatter.add.f32 [tilespmem:s21], [sflag:$0x4], $0x80, s18, s19, $0xb8;
	[tilespmem:$0x1FEA0] =	vst v63  }
0x9d: {  	s30 =	stileid.u32;
	_ =	swait.ge [sflag:s17], $0x2800  }
0x9e: {  	s22 =	sadd.s32 $0x1, s22;
	s28 =	sshll.u32 s30, $0x6;
	[sflag:s17] =	ssyncset.done $0x0  }
0x9f: {  	p0 =	sne.s32 s22, s16;
	s28 =	sor.u32 $0x1C04, s28;
	[sflag:s17] =	ssyncadd.s32 $0xFFFFD800  }
.Ltmp2:
0xa0: {  	s31 =	sshrl.u32 s7, $0x3;
	[bflag:$0x0] =	sbarrier.arrive $0xFFFF;
	(pc) =	sbr.rel @p0 .LBB2_1-.Ltmp2, $4  }
0xa1: {  	[hbm:s15], [sflag:s28] =	dma.local [spmem:s31], $0x2710  }
0xa2: {  	_ =	swait.ge [sflag:s17], $0x2710  }
0xa3: {  	[sflag:s17] =	ssyncset.done $0x0  }
0xa4: {  	[sflag:s17] =	ssyncadd.s32 $0xFFFFD8F0  }
0xa5: {  	_ =	sfence.sel $0x180000  }
0xa6: {  	[bflag:$0x0] =	sbarrier.arrive $0xFFFF  }
0xa7: {  	_ =	strace $0x90000047  }
0xa8: {  	s0 =	stileid.u32;
	[bflag:$0x2] =	sbarrier.arrive $0xFFFF  }
0xa9: {  	p0 =	sne.s32 s0, $0x0;
	s0 =	rddreg [dreg:$0x4]  }
0xaa: {  	s0 =	sadd.s32 @!p0 $0x100000, s0  }
0xab: {  	[sflag:s0] =	ssyncadd.tile.s32 @!p0 $0x1;
	_ =	shalt  }
.Lfunc_end2:
_tile_overlayer_lowered:
.L_overlay_start_2:
0xac: {  	(tag) =	ssettag $0x2  }
0xad: {  	s0 =	rddreg [dreg:$0x0];
	s2 =	stileid.u32  }
0xae: {  	s1 =	rddreg [dreg:$0x1];
	p0 =	sne.s32 s2, $0x0  }
0xaf: {  	s3 =	rddreg [dreg:$0x2];
	[bflag:$0x3] =	sbarrier.arrive $0xFFFF;
	s2 =	simm.s32 @!p0 $0x1C04  }
0xb0: {  	[timem:s3], [sflag:s2] =	dma.local @!p0 [hbm:s0], s1  }
0xb1: {  	s0 =	simm.s32 @!p0 $0x4  }
0xb2: {  	_ =	swait.ge @!p0 [sflag:s0], s1  }
0xb3: {  	s1 =	ssub.s32 @!p0 $0x0, s1;
	[sflag:s0] =	ssyncset.done @!p0 $0x0  }
0xb4: {  	[sflag:s0] =	ssyncadd.s32 @!p0 s1  }
0xb5: {  	[bflag:$0x3] =	sbarrier.arrive $0xFFFF  }
0xb6: {  	_ =	shalt  }

</sc_bundles>
